<compile_context>
chip_gen: v7x
topology: tpu7x:2x2x1
jax: 0.10.2.dev20260603
libtpu: 0.0.44.dev20260713+nightly
codegen_flags: <defaults>
</compile_context>

<pallas_src>
import functools

import jax
import jax.numpy as jnp
import numpy as np
from jax import lax
from jax.experimental import pallas as pl
from jax.experimental.pallas import tpu as pltpu
from jax.experimental.pallas import tpu_sc as plsc

MUL = 32
INV_SQRT_MUL = 1.0 / np.sqrt(32.0)
INV_SQRT_EDGE = 1.0 / np.sqrt(12.0)
SQRT3 = np.float32(np.sqrt(3.0))

NC = 2
NS = 16
NW = NC * NS
CHUNK = 128


def _node_lin_body(nf_ref, w_ref, out_ref):
    x = jnp.dot(nf_ref[...], w_ref[...],
                preferred_element_type=jnp.float32) * INV_SQRT_MUL
    out_ref[...] = jnp.concatenate(
        [x, jnp.zeros((x.shape[0], 96), jnp.float32)], axis=1)


def _edge_prep_body(ee_ref, ev_ref, wfc_ref, out_ref):
    w01 = jnp.dot(ee_ref[...], wfc_ref[...],
                  preferred_element_type=jnp.float32) * INV_SQRT_EDGE
    ev = ev_ref[...]
    nrm = jnp.sqrt(jnp.sum(ev * ev, axis=1, keepdims=True))
    y1 = SQRT3 * ev / (nrm + 1e-12)
    pad = jnp.zeros((ev.shape[0], 5), jnp.float32)
    out_ref[...] = jnp.concatenate([w01, y1, pad], axis=1)


def _post_body(aggp_ref, nf_ref, wq_ref, w1p_ref, r3_ref, out_ref):
    a = aggp_ref[0] + aggp_ref[1]
    s = a[:, :MUL]
    v = a[:, MUL:]
    sn = jnp.concatenate([s, nf_ref[...]], axis=1)
    q = jnp.dot(sn, wq_ref[...], preferred_element_type=jnp.float32) * INV_SQRT_MUL
    g1 = jnp.dot(v, w1p_ref[...], preferred_element_type=jnp.float32) * INV_SQRT_MUL
    scal = q[:, :32] * jax.nn.sigmoid(q[:, :32])
    gates3 = jnp.dot(jax.nn.sigmoid(q[:, 32:48]), r3_ref[...],
                     preferred_element_type=jnp.float32)
    out_ref[...] = jnp.concatenate([scal, g1 * gates3], axis=1)


def _make_sc_kernel(n_pad, e_pad):
    ew = e_pad // NW
    n_chunks = ew // CHUNK
    rows_per_tile = n_pad // NS

    mesh = plsc.VectorSubcoreMesh(core_axis_name="c", subcore_axis_name="s")

    @functools.partial(
        pl.kernel,
        out_type=jax.ShapeDtypeStruct((NC, n_pad, 128), jnp.float32),
        mesh=mesh,
        scratch_types=[
            pltpu.VMEM((CHUNK,), jnp.int32),
            pltpu.VMEM((CHUNK,), jnp.int32),
            pltpu.VMEM((CHUNK, 128), jnp.float32),
            pltpu.VMEM((CHUNK, 72), jnp.float32),
            pltpu.VMEM((CHUNK, 128), jnp.float32),
            pltpu.VMEM_SHARED((n_pad, 128), jnp.float32),
            pltpu.SemaphoreType.DMA,
            pltpu.SemaphoreType.DMA,
        ],
    )
    def sc_kernel(x_hbm, wy_hbm, src_hbm, dst_hbm, out_hbm,
                  dsti, srci, xd, wyc, msg, agg, sem, semi):
        cid = lax.axis_index("c")
        sid = lax.axis_index("s")
        wid = cid * NS + sid

        def zero_msg(i, _):
            msg[i // 8, pl.ds((i % 8) * 16, 16)] = jnp.zeros((16,), jnp.float32)
            return 0
        lax.fori_loop(0, CHUNK * 8, zero_msg, 0)

        base_row = sid * rows_per_tile
        def zero_agg(j, _):
            pltpu.sync_copy(msg,
                            agg.at[pl.ds(base_row + j * CHUNK, CHUNK)])
            return 0
        lax.fori_loop(0, rows_per_tile // CHUNK, zero_agg, 0)
        rem = rows_per_tile % CHUNK
        if rem:
            pltpu.sync_copy(
                msg.at[pl.ds(0, rem)],
                agg.at[pl.ds(base_row + (rows_per_tile - rem), rem)])
        plsc.subcore_barrier()

        ebase = wid * ew

        def chunk_body(ci, _):
            off = ebase + ci * CHUNK
            d1 = pltpu.async_copy(dst_hbm.at[pl.ds(off, CHUNK)], dsti, semi)
            d2 = pltpu.async_copy(src_hbm.at[pl.ds(off, CHUNK)], srci, semi)
            d3 = pltpu.async_copy(wy_hbm.at[pl.ds(off, CHUNK)], wyc, semi)
            d1.wait()
            g = pltpu.async_copy(x_hbm.at[dsti], xd, sem)
            d2.wait()
            d3.wait()
            g.wait()

            def per_edge(e, _):
                xd0 = xd[e, pl.ds(0, 16)]
                xd1 = xd[e, pl.ds(16, 16)]
                msg[e, pl.ds(0, 16)] = xd0 * wyc[e, pl.ds(0, 16)]
                msg[e, pl.ds(16, 16)] = xd1 * wyc[e, pl.ds(16, 16)]
                h0 = xd0 * wyc[e, pl.ds(32, 16)]
                h1 = xd1 * wyc[e, pl.ds(48, 16)]
                yv = wyc[e, pl.ds(56, 16)]
                yx = yv[8]
                yy = yv[9]
                yz = yv[10]
                msg[e, pl.ds(32, 16)] = h0 * yx
                msg[e, pl.ds(48, 16)] = h1 * yx
                msg[e, pl.ds(64, 16)] = h0 * yy
                msg[e, pl.ds(80, 16)] = h1 * yy
                msg[e, pl.ds(96, 16)] = h0 * yz
                msg[e, pl.ds(112, 16)] = h1 * yz
                return 0
            lax.fori_loop(0, CHUNK, per_edge, 0)

            pltpu.sync_copy(msg, agg.at[srci], add=True)
            return 0
        lax.fori_loop(0, n_chunks, chunk_body, 0)
        plsc.subcore_barrier()

        pltpu.sync_copy(agg.at[pl.ds(base_row, rows_per_tile)],
                        out_hbm.at[cid, pl.ds(base_row, rows_per_tile)])

    return sc_kernel


def kernel(node_feature, edge_index, edge_vec, edge_embedding,
           W_fc, W_nl0, W_skip0, W_nl2_0, W_nl2_1):
    n = node_feature.shape[0]
    e = edge_index.shape[1]

    e_pad = ((e + NW * CHUNK - 1) // (NW * CHUNK)) * (NW * CHUNK)
    pad = e_pad - e
    src = jnp.pad(edge_index[0], (0, pad))
    dst = jnp.pad(edge_index[1], (0, pad))
    eep = jnp.pad(edge_embedding, ((0, pad), (0, 0)))
    evp = jnp.pad(edge_vec, ((0, pad), (0, 0)))

    x = pl.pallas_call(
        _node_lin_body,
        out_shape=jax.ShapeDtypeStruct((n, 128), jnp.float32),
    )(node_feature, W_nl0)

    BE = 2048
    wy = pl.pallas_call(
        _edge_prep_body,
        grid=(e_pad // BE,),
        in_specs=[
            pl.BlockSpec((BE, 12), lambda i: (i, 0)),
            pl.BlockSpec((BE, 3), lambda i: (i, 0)),
            pl.BlockSpec((12, 64), lambda i: (0, 0)),
        ],
        out_specs=pl.BlockSpec((BE, 72), lambda i: (i, 0)),
        out_shape=jax.ShapeDtypeStruct((e_pad, 72), jnp.float32),
    )(eep, evp, W_fc[:, :64])

    n_pad = ((n + NS * 8 - 1) // (NS * 8)) * (NS * 8)
    aggp = _make_sc_kernel(n_pad, e_pad)(x, wy, src, dst)

    Wq = jnp.concatenate([W_nl2_0, W_skip0], axis=0)
    W1p = jnp.zeros((96, 48), jnp.float32)
    for c in range(3):
        W1p = W1p.at[32 * c:32 * (c + 1), c::3].set(W_nl2_1)
    R3 = jnp.asarray(np.kron(np.eye(16, dtype=np.float32),
                             np.ones((1, 3), np.float32)))

    BN = 2000
    out = pl.pallas_call(
        _post_body,
        grid=(n // BN,),
        in_specs=[
            pl.BlockSpec((NC, BN, 128), lambda i: (0, i, 0)),

            pl.BlockSpec((BN, MUL), lambda i: (i, 0)),
            pl.BlockSpec((64, 48), lambda i: (0, 0)),
            pl.BlockSpec((96, 48), lambda i: (0, 0)),
            pl.BlockSpec((16, 48), lambda i: (0, 0)),
        ],
        out_specs=pl.BlockSpec((BN, 80), lambda i: (i, 0)),
        out_shape=jax.ShapeDtypeStruct((n, 80), jnp.float32),
    )(aggp, node_feature, Wq, W1p, R3)
    return out

# --- scband reference (transcript-rebuilt; emitter-appended) ---
"""Pipeline reference for scband-e-comf-equivariant-conv-layer-32366873542776 (READ-ONLY COPY).

The authoritative reference and input builder live on the scoring server;
editing this copy changes nothing except your own understanding.
"""

import jax, jax.numpy as jnp
import numpy as np

N = 10000
E = 320000
MUL = 32
EDGE_DIM = 12
DENOM = 1.0


def _spherical_harmonics(u):
    # component-normalized real spherical harmonics, l=1 and l=2, on unit vectors u [E,3]
    x, y, z = u[:, 0], u[:, 1], u[:, 2]
    y1 = jnp.sqrt(3.0) * u
    c15 = jnp.sqrt(15.0)
    c5 = jnp.sqrt(5.0)
    y2 = jnp.stack([
        c15 * x * y,
        c15 * y * z,
        0.5 * c5 * (3.0 * z * z - 1.0),
        c15 * x * z,
        0.5 * c15 * (x * x - y * y),
    ], axis=-1)
    return y1, y2


def setup_inputs(seed: int = 0) -> dict:
    key = jax.random.key(seed)
    ks = jax.random.split(key, 10)
    node_feature = jax.random.normal(ks[0], (N, MUL), dtype=jnp.float32)
    edge_index = jax.random.randint(ks[1], (2, E), 0, N, dtype=jnp.int32)
    edge_vec = jax.random.normal(ks[2], (E, 3), dtype=jnp.float32)
    edge_embedding = jax.random.normal(ks[3], (E, EDGE_DIM), dtype=jnp.float32)
    # learned parameters
    W_fc = jax.random.normal(ks[4], (EDGE_DIM, 3 * MUL), dtype=jnp.float32)      # FullyConnectedNet([12, weight_numel=96])
    W_nl0 = jax.random.normal(ks[5], (MUL, MUL), dtype=jnp.float32)              # node_linear: 32x0e -> 32x0e
    W_skip0 = jax.random.normal(ks[6], (MUL, 48), dtype=jnp.float32)             # skip_linear: 32x0e -> 48x0e (scalars+gates); 1e part has no path -> zeros
    W_nl2_0 = jax.random.normal(ks[7], (MUL, 48), dtype=jnp.float32)             # node_linear_2 l=0: 32x0e -> 48x0e
    W_nl2_1 = jax.random.normal(ks[8], (MUL, 16), dtype=jnp.float32)             # node_linear_2 l=1: 32x1e -> 16x1e (2e dropped)
    return {
        'node_feature': node_feature,
        'edge_index': edge_index,
        'edge_vec': edge_vec,
        'edge_embedding': edge_embedding,
        'W_fc': W_fc,
        'W_nl0': W_nl0,
        'W_skip0': W_skip0,
        'W_nl2_0': W_nl2_0,
        'W_nl2_1': W_nl2_1,
    }


def reference(node_feature, edge_index, edge_vec, edge_embedding, W_fc, W_nl0, W_skip0, W_nl2_0, W_nl2_1):
    n = node_feature.shape[0]
    inv_sqrt_mul = 1.0 / jnp.sqrt(jnp.asarray(MUL, jnp.float32))
    inv_sqrt_edge = 1.0 / jnp.sqrt(jnp.asarray(EDGE_DIM, jnp.float32))
    # skip_linear (e3nn Linear, fan-in normalized); 1e output has no input path -> implicit zeros
    skip0 = (node_feature @ W_skip0) * inv_sqrt_mul                      # [N,48]
    # node_linear
    x = (node_feature @ W_nl0) * inv_sqrt_mul                            # [N,32]
    # spherical harmonics of edge vectors (normalize=True, normalization='component')
    u = edge_vec / (jnp.linalg.norm(edge_vec, axis=-1, keepdims=True) + 1e-12)
    y1, y2 = _spherical_harmonics(u)                                     # [E,3], [E,5]
    # per-edge tensor-product weights from FC on edge features
    w = (edge_embedding @ W_fc) * inv_sqrt_edge                          # [E,96]
    w0, w1, w2 = w[:, :MUL], w[:, MUL:2 * MUL], w[:, 2 * MUL:]
    src = edge_index[0]
    dst = edge_index[1]
    xd = x[dst]                                                          # gather [E,32]
    # uvu tensor product: 32x0e x (1x0e+1x1e+1x2e) -> 32x0e+32x1e+32x2e
    t0 = xd * w0                                                         # [E,32]
    t1 = (xd * w1)[:, :, None] * y1[:, None, :]                          # [E,32,3]
    t2 = (xd * w2)[:, :, None] * y2[:, None, :]                          # [E,32,5]
    tp = jnp.concatenate([t0, t1.reshape(-1, MUL * 3), t2.reshape(-1, MUL * 5)], axis=-1)  # [E,288]
    # scatter-sum into destination (edge_src) nodes, divide by denominator
    agg = jax.ops.segment_sum(tp, src, num_segments=n) / DENOM           # [N,288]
    # dropout p=0.0 on l0 indices -> identity
    # node_linear_2: per-l linear, 2e channel dropped
    s = agg[:, :MUL]
    v1 = agg[:, MUL:MUL * 4].reshape(n, MUL, 3)
    g0 = (s @ W_nl2_0) * inv_sqrt_mul                                    # [N,48]
    g1 = jnp.einsum('nuc,uv->nvc', v1, W_nl2_1) * inv_sqrt_mul           # [N,16,3]
    # residual skip connection
    gate_scalar_in = g0 + skip0                                          # [N,48]
    gate_vec_in = g1.reshape(n, 48)                                      # skip has no 1e path -> +0
    # equivariant gate: 32 scalars (silu) + 16 gates (sigmoid) gating 16x1e
    scalars = jax.nn.silu(gate_scalar_in[:, :32])
    gates = jax.nn.sigmoid(gate_scalar_in[:, 32:48])
    vec = gate_vec_in.reshape(n, 16, 3) * gates[:, :, None]
    return jnp.concatenate([scalars, vec.reshape(n, 48)], axis=-1)       # [N,80]

if __name__ == "__main__":
    import jax
    _d = setup_inputs()
    print(jax.jit(kernel)(*tuple(_d.values())))

</pallas_src>

<mosaic_0001>
#map = affine_map<(d0, d1) -> (0, 0)>
#map1 = affine_map<(d0, d1) -> (0)>
#map2 = affine_map<(d0, d1) -> (0, 0, 0)>
module attributes {stable_mosaic.version = 14 : i64} {
  func.func @sc_kernel(%arg0: i32, %arg1: i32, %arg2: memref<10000x128xf32, #tpu.memory_space<hbm>>, %arg3: memref<323584x72xf32, #tpu.memory_space<hbm>>, %arg4: memref<323584xi32, #tpu.memory_space<hbm>>, %arg5: memref<323584xi32, #tpu.memory_space<hbm>>, %arg6: memref<2x10112x128xf32, #tpu.memory_space<hbm>>, %arg7: memref<128xi32, #tpu.memory_space<vmem>>, %arg8: memref<128xi32, #tpu.memory_space<vmem>>, %arg9: memref<128x128xf32, #tpu.memory_space<vmem>>, %arg10: memref<128x72xf32, #tpu.memory_space<vmem>>, %arg11: memref<128x128xf32, #tpu.memory_space<vmem>>, %arg12: memref<10112x128xf32, #tpu.memory_space<vmem_shared>>, %arg13: memref<!tpu.dma_semaphore, #tpu.memory_space<semaphore_mem>>, %arg14: memref<!tpu.dma_semaphore, #tpu.memory_space<semaphore_mem>>) attributes {dimension_semantics = [#tpu.dimension_semantics<core_parallel>, #tpu.dimension_semantics<subcore_parallel>], iteration_bounds = array<i64: 2, 16>, scalar_prefetch = 0 : i64, scratch_operands = 8 : i64, tpu.core_type = #tpu.core_type<sc_vector_subcore>, window_params = [{transform_indices = #map}, {transform_indices = #map}, {transform_indices = #map1}, {transform_indices = #map1}, {transform_indices = #map2}]} {
    %mul3A = arith.constant 16 : i32
    %mul3A_0 = arith.muli %arg0, %mul3A : i32
    %add3A = arith.addi %mul3A_0, %arg1 : i32
    %scan3A = arith.constant 0 : i32
    %scan3A_1 = arith.constant 0 : i32
    %scan3A_2 = arith.constant 1024 : i32
    %scan3A_3 = arith.addi %scan3A_1, %scan3A_2 : i32
    %scan3A_4 = arith.constant 1 : i32
    %scan3A_5 = scf.for %scan3A_28 = %scan3A_1 to %scan3A_3 step %scan3A_4 iter_args(%scan3A_29 = %scan3A) -> (i32)  : i32 {
      %broadcast_in_dim3A = arith.constant 0.000000e+00 : f32
      %broadcast_in_dim3A_30 = vector.broadcast %broadcast_in_dim3A : f32 to vector<16xf32>
      %jit3A = arith.constant 8 : i32
      %div3A = arith.divsi %scan3A_28, %jit3A : i32
      %sign3A = arith.constant 0 : i32
      %sign3A_31 = arith.cmpi sgt, %scan3A_28, %sign3A : i32
      %sign3A_32 = arith.extui %sign3A_31 : i1 to i32
      %sign3A_33 = arith.constant 0 : i32
      %sign3A_34 = arith.cmpi slt, %scan3A_28, %sign3A_33 : i32
      %sign3A_35 = arith.extui %sign3A_34 : i1 to i32
      %sign3A_36 = arith.subi %sign3A_32, %sign3A_35 : i32
      %sign3A_37 = arith.constant 0 : i32
      %sign3A_38 = arith.cmpi sgt, %jit3A, %sign3A_37 : i32
      %sign3A_39 = arith.extui %sign3A_38 : i1 to i32
      %sign3A_40 = arith.constant 0 : i32
      %sign3A_41 = arith.cmpi slt, %jit3A, %sign3A_40 : i32
      %sign3A_42 = arith.extui %sign3A_41 : i1 to i32
      %sign3A_43 = arith.subi %sign3A_39, %sign3A_42 : i32
      %ne3A = arith.cmpi ne, %sign3A_36, %sign3A_43 : i32
      %rem3A = arith.remsi %scan3A_28, %jit3A : i32
      %ne3A_44 = arith.constant 0 : i32
      %ne3A_45 = arith.cmpi ne, %rem3A, %ne3A_44 : i32
      %and3A = arith.andi %ne3A, %ne3A_45 : i1
      %sub3A = arith.constant 1 : i32
      %sub3A_46 = arith.subi %div3A, %sub3A : i32
      %select_n3A = arith.select %and3A, %sub3A_46, %div3A : i32
      %jit3A_47 = arith.constant 8 : i32
      %eq3A = arith.constant 0 : i32
      %eq3A_48 = arith.cmpi eq, %jit3A_47, %eq3A : i32
      %jit3A_49 = arith.constant 1 : i32
      %select_n3A_50 = arith.select %eq3A_48, %jit3A_49, %jit3A_47 : i32
      %rem3A_51 = arith.remsi %scan3A_28, %select_n3A_50 : i32
      %ne3A_52 = arith.constant 0 : i32
      %ne3A_53 = arith.cmpi ne, %rem3A_51, %ne3A_52 : i32
      %lt3A = arith.constant 0 : i32
      %lt3A_54 = arith.cmpi slt, %rem3A_51, %lt3A : i32
      %lt3A_55 = arith.constant 0 : i32
      %lt3A_56 = arith.cmpi slt, %select_n3A_50, %lt3A_55 : i32
      %ne3A_57 = arith.xori %lt3A_54, %lt3A_56 : i1
      %and3A_58 = arith.andi %ne3A_57, %ne3A_53 : i1
      %add3A_59 = arith.addi %rem3A_51, %select_n3A_50 : i32
      %select_n3A_60 = arith.select %and3A_58, %add3A_59, %rem3A_51 : i32
      %mul3A_61 = arith.constant 16 : i32
      %mul3A_62 = arith.muli %select_n3A_60, %mul3A_61 : i32
      %swap3A = arith.index_cast %select_n3A : i32 to index
      %swap3A_63 = arith.index_cast %mul3A_62 : i32 to index
      %swap3A_64 = tpu.vector_load %arg11[%swap3A, %swap3A_63] {strides = array<i32>} : memref<128x128xf32, #tpu.memory_space<vmem>>, vector<1x16xf32>,
      %swap3A_65 = vector.shape_cast %swap3A_64 : vector<1x16xf32> to vector<16xf32>
      %swap3A_66 = vector.shape_cast %broadcast_in_dim3A_30 : vector<16xf32> to vector<1x16xf32>
      tpu.vector_store %arg11[%swap3A, %swap3A_63], %swap3A_66 {strides = array<i32>} : memref<128x128xf32, #tpu.memory_space<vmem>>, vector<1x16xf32>,
      %scan3A_67 = arith.constant 0 : i32
      scf.yield %scan3A_67 : i32
    }
    %scan3A_6 = arith.constant 1024 : i32
    %mul3A_7 = arith.constant 632 : i32
    %mul3A_8 = arith.muli %arg1, %mul3A_7 : i32
    %scan3A_9 = arith.constant 0 : i32
    %scan3A_10 = arith.constant 0 : i32
    %scan3A_11 = arith.constant 4 : i32
    %scan3A_12 = arith.addi %scan3A_10, %scan3A_11 : i32
    %scan3A_13 = arith.constant 1 : i32
    %scan3A_14 = scf.for %scan3A_28 = %scan3A_10 to %scan3A_12 step %scan3A_13 iter_args(%scan3A_29 = %scan3A_9) -> (i32)  : i32 {
      %mul3A_30 = arith.constant 128 : i32
      %mul3A_31 = arith.muli %scan3A_28, %mul3A_30 : i32
      %add3A_32 = arith.addi %mul3A_8, %mul3A_31 : i32
      "tpu.region"() ({
        %run_scoped3A = tpu.sem_alloc : memref<!tpu.dma_semaphore, #tpu.memory_space<semaphore_mem>>
        %dma_start3A = arith.constant 0 : i32
        %dma_start3A_34 = tpu.memref_slice %arg12[%add3A_32, %dma_start3A] : memref<10112x128xf32, #tpu.memory_space<vmem_shared>> -> memref<128x128xf32, #tpu.memory_space<vmem_shared>>
        %dma_start3A_35 = arith.constant 0 : i32
        %dma_start3A_36 = tpu.memref_slice %arg12[%add3A_32, %dma_start3A_35] : memref<10112x128xf32, #tpu.memory_space<vmem_shared>> -> memref<128x128xf32, #tpu.memory_space<vmem_shared>>
        tpu.enqueue_dma source(%arg11 : memref<128x128xf32, #tpu.memory_space<vmem>>) target(%dma_start3A_36 : memref<128x128xf32, #tpu.memory_space<vmem_shared>>) target_semaphore(%run_scoped3A : memref<!tpu.dma_semaphore, #tpu.memory_space<semaphore_mem>>)
        %dma_wait3A = arith.constant 0 : i32
        %dma_wait3A_37 = tpu.memref_slice %arg12[%add3A_32, %dma_wait3A] : memref<10112x128xf32, #tpu.memory_space<vmem_shared>> -> memref<128x128xf32, #tpu.memory_space<vmem_shared>>
        %dma_wait3A_38 = arith.constant 0 : i32
        %dma_wait3A_39 = tpu.memref_slice %arg12[%add3A_32, %dma_wait3A_38] : memref<10112x128xf32, #tpu.memory_space<vmem_shared>> -> memref<128x128xf32, #tpu.memory_space<vmem_shared>>
        tpu.wait_dma2 semaphore(%run_scoped3A : memref<!tpu.dma_semaphore, #tpu.memory_space<semaphore_mem>>) src(%arg11 : memref<128x128xf32, #tpu.memory_space<vmem>>) dst(%dma_wait3A_39 : memref<128x128xf32, #tpu.memory_space<vmem_shared>>)
        tpu.yield
      }) : () -> ()
      %scan3A_33 = arith.constant 0 : i32
      scf.yield %scan3A_33 : i32
    }
    %scan3A_15 = arith.constant 4 : i32
    %add3A_16 = arith.constant 512 : i32
    %add3A_17 = arith.addi %mul3A_8, %add3A_16 : i32
    "tpu.region"() ({
      %run_scoped3A = tpu.sem_alloc : memref<!tpu.dma_semaphore, #tpu.memory_space<semaphore_mem>>
      %dma_start3A = arith.constant 0 : i32
      %dma_start3A_28 = arith.constant 0 : i32
      %dma_start3A_29 = tpu.memref_slice %arg11[%dma_start3A, %dma_start3A_28] : memref<128x128xf32, #tpu.memory_space<vmem>> -> memref<120x128xf32, #tpu.memory_space<vmem>>
      %dma_start3A_30 = arith.constant 0 : i32
      %dma_start3A_31 = tpu.memref_slice %arg12[%add3A_17, %dma_start3A_30] : memref<10112x128xf32, #tpu.memory_space<vmem_shared>> -> memref<120x128xf32, #tpu.memory_space<vmem_shared>>
      %dma_start3A_32 = arith.constant 0 : i32
      %dma_start3A_33 = tpu.memref_slice %arg12[%add3A_17, %dma_start3A_32] : memref<10112x128xf32, #tpu.memory_space<vmem_shared>> -> memref<120x128xf32, #tpu.memory_space<vmem_shared>>
      %dma_start3A_34 = arith.constant 0 : i32
      %dma_start3A_35 = arith.constant 0 : i32
      %dma_start3A_36 = tpu.memref_slice %arg11[%dma_start3A_34, %dma_start3A_35] : memref<128x128xf32, #tpu.memory_space<vmem>> -> memref<120x128xf32, #tpu.memory_space<vmem>>
      tpu.enqueue_dma source(%dma_start3A_36 : memref<120x128xf32, #tpu.memory_space<vmem>>) target(%dma_start3A_33 : memref<120x128xf32, #tpu.memory_space<vmem_shared>>) target_semaphore(%run_scoped3A : memref<!tpu.dma_semaphore, #tpu.memory_space<semaphore_mem>>)
      %dma_wait3A = arith.constant 0 : i32
      %dma_wait3A_37 = arith.constant 0 : i32
      %dma_wait3A_38 = tpu.memref_slice %arg11[%dma_wait3A, %dma_wait3A_37] : memref<128x128xf32, #tpu.memory_space<vmem>> -> memref<120x128xf32, #tpu.memory_space<vmem>>
      %dma_wait3A_39 = arith.constant 0 : i32
      %dma_wait3A_40 = tpu.memref_slice %arg12[%add3A_17, %dma_wait3A_39] : memref<10112x128xf32, #tpu.memory_space<vmem_shared>> -> memref<120x128xf32, #tpu.memory_space<vmem_shared>>
      %dma_wait3A_41 = arith.constant 0 : i32
      %dma_wait3A_42 = tpu.memref_slice %arg12[%add3A_17, %dma_wait3A_41] : memref<10112x128xf32, #tpu.memory_space<vmem_shared>> -> memref<120x128xf32, #tpu.memory_space<vmem_shared>>
      %dma_wait3A_43 = arith.constant 0 : i32
      %dma_wait3A_44 = arith.constant 0 : i32
      %dma_wait3A_45 = tpu.memref_slice %arg11[%dma_wait3A_43, %dma_wait3A_44] : memref<128x128xf32, #tpu.memory_space<vmem>> -> memref<120x128xf32, #tpu.memory_space<vmem>>
      tpu.wait_dma2 semaphore(%run_scoped3A : memref<!tpu.dma_semaphore, #tpu.memory_space<semaphore_mem>>) src(%dma_wait3A_45 : memref<120x128xf32, #tpu.memory_space<vmem>>) dst(%dma_wait3A_42 : memref<120x128xf32, #tpu.memory_space<vmem_shared>>)
      tpu.yield
    }) : () -> ()
    %barrier3A = arith.constant 0 : index
    tpu.barrier barrier_id(%barrier3A)
    %mul3A_18 = arith.constant 10112 : i32
    %mul3A_19 = arith.muli %add3A, %mul3A_18 : i32
    %scan3A_20 = arith.constant 0 : i32
    %scan3A_21 = arith.constant 0 : i32
    %scan3A_22 = arith.constant 79 : i32
    %scan3A_23 = arith.addi %scan3A_21, %scan3A_22 : i32
    %scan3A_24 = arith.constant 1 : i32
    %scan3A_25 = scf.for %scan3A_28 = %scan3A_21 to %scan3A_23 step %scan3A_24 iter_args(%scan3A_29 = %scan3A_20) -> (i32)  : i32 {
      %mul3A_30 = arith.constant 128 : i32
      %mul3A_31 = arith.muli %scan3A_28, %mul3A_30 : i32
      %add3A_32 = arith.addi %mul3A_19, %mul3A_31 : i32
      %dma_start3A = tpu.memref_slice %arg5[%add3A_32] : memref<323584xi32, #tpu.memory_space<hbm>> -> memref<128xi32, #tpu.memory_space<hbm>>
      %dma_start3A_33 = tpu.memref_slice %arg5[%add3A_32] : memref<323584xi32, #tpu.memory_space<hbm>> -> memref<128xi32, #tpu.memory_space<hbm>>
      tpu.enqueue_dma source(%dma_start3A_33 : memref<128xi32, #tpu.memory_space<hbm>>) target(%arg7 : memref<128xi32, #tpu.memory_space<vmem>>) target_semaphore(%arg14 : memref<!tpu.dma_semaphore, #tpu.memory_space<semaphore_mem>>)
      %dma_start3A_34 = tpu.memref_slice %arg4[%add3A_32] : memref<323584xi32, #tpu.memory_space<hbm>> -> memref<128xi32, #tpu.memory_space<hbm>>
      %dma_start3A_35 = tpu.memref_slice %arg4[%add3A_32] : memref<323584xi32, #tpu.memory_space<hbm>> -> memref<128xi32, #tpu.memory_space<hbm>>
      tpu.enqueue_dma source(%dma_start3A_35 : memref<128xi32, #tpu.memory_space<hbm>>) target(%arg8 : memref<128xi32, #tpu.memory_space<vmem>>) target_semaphore(%arg14 : memref<!tpu.dma_semaphore, #tpu.memory_space<semaphore_mem>>)
      %dma_start3A_36 = arith.constant 0 : i32
      %dma_start3A_37 = tpu.memref_slice %arg3[%add3A_32, %dma_start3A_36] : memref<323584x72xf32, #tpu.memory_space<hbm>> -> memref<128x72xf32, #tpu.memory_space<hbm>>
      %dma_start3A_38 = arith.constant 0 : i32
      %dma_start3A_39 = tpu.memref_slice %arg3[%add3A_32, %dma_start3A_38] : memref<323584x72xf32, #tpu.memory_space<hbm>> -> memref<128x72xf32, #tpu.memory_space<hbm>>
      tpu.enqueue_dma source(%dma_start3A_39 : memref<128x72xf32, #tpu.memory_space<hbm>>) target(%arg10 : memref<128x72xf32, #tpu.memory_space<vmem>>) target_semaphore(%arg14 : memref<!tpu.dma_semaphore, #tpu.memory_space<semaphore_mem>>)
      %dma_wait3A = tpu.memref_slice %arg5[%add3A_32] : memref<323584xi32, #tpu.memory_space<hbm>> -> memref<128xi32, #tpu.memory_space<hbm>>
      %dma_wait3A_40 = tpu.memref_slice %arg5[%add3A_32] : memref<323584xi32, #tpu.memory_space<hbm>> -> memref<128xi32, #tpu.memory_space<hbm>>
      tpu.wait_dma2 semaphore(%arg14 : memref<!tpu.dma_semaphore, #tpu.memory_space<semaphore_mem>>) src(%dma_wait3A_40 : memref<128xi32, #tpu.memory_space<hbm>>) dst(%arg7 : memref<128xi32, #tpu.memory_space<vmem>>)
      %dma_start3A_41 = arith.constant 0 : i32
      %dma_start3A_42 = arith.constant 0 : i32
      %dma_start3A_43 = tpu.memref_slice %arg2[%dma_start3A_41, %dma_start3A_42] : memref<10000x128xf32, #tpu.memory_space<hbm>> -> memref<10000x128xf32, #tpu.memory_space<hbm>>
      tpu.enqueue_indirect_dma source(%dma_start3A_43 : memref<10000x128xf32, #tpu.memory_space<hbm>>) target(%arg9 : memref<128x128xf32, #tpu.memory_space<vmem>>) offsets(%arg7 : memref<128xi32, #tpu.memory_space<vmem>>) semaphore(%arg13 : memref<!tpu.dma_semaphore, #tpu.memory_space<semaphore_mem>>)
      %dma_wait3A_44 = tpu.memref_slice %arg4[%add3A_32] : memref<323584xi32, #tpu.memory_space<hbm>> -> memref<128xi32, #tpu.memory_space<hbm>>
      %dma_wait3A_45 = tpu.memref_slice %arg4[%add3A_32] : memref<323584xi32, #tpu.memory_space<hbm>> -> memref<128xi32, #tpu.memory_space<hbm>>
      tpu.wait_dma2 semaphore(%arg14 : memref<!tpu.dma_semaphore, #tpu.memory_space<semaphore_mem>>) src(%dma_wait3A_45 : memref<128xi32, #tpu.memory_space<hbm>>) dst(%arg8 : memref<128xi32, #tpu.memory_space<vmem>>)
      %dma_wait3A_46 = arith.constant 0 : i32
      %dma_wait3A_47 = tpu.memref_slice %arg3[%add3A_32, %dma_wait3A_46] : memref<323584x72xf32, #tpu.memory_space<hbm>> -> memref<128x72xf32, #tpu.memory_space<hbm>>
      %dma_wait3A_48 = arith.constant 0 : i32
      %dma_wait3A_49 = tpu.memref_slice %arg3[%add3A_32, %dma_wait3A_48] : memref<323584x72xf32, #tpu.memory_space<hbm>> -> memref<128x72xf32, #tpu.memory_space<hbm>>
      tpu.wait_dma2 semaphore(%arg14 : memref<!tpu.dma_semaphore, #tpu.memory_space<semaphore_mem>>) src(%dma_wait3A_49 : memref<128x72xf32, #tpu.memory_space<hbm>>) dst(%arg10 : memref<128x72xf32, #tpu.memory_space<vmem>>)
      %dma_wait3A_50 = arith.constant 0 : i32
      %dma_wait3A_51 = arith.constant 0 : i32
      %dma_wait3A_52 = tpu.memref_slice %arg2[%dma_wait3A_50, %dma_wait3A_51] : memref<10000x128xf32, #tpu.memory_space<hbm>> -> memref<10000x128xf32, #tpu.memory_space<hbm>>
      tpu.wait_indirect_dma semaphore(%arg13 : memref<!tpu.dma_semaphore, #tpu.memory_space<semaphore_mem>>) src(%dma_wait3A_52 : memref<10000x128xf32, #tpu.memory_space<hbm>>) dst(%arg9 : memref<128x128xf32, #tpu.memory_space<vmem>>)
      %scan3A_53 = arith.constant 0 : i32
      %scan3A_54 = arith.constant 0 : i32
      %scan3A_55 = arith.constant 128 : i32
      %scan3A_56 = arith.addi %scan3A_54, %scan3A_55 : i32
      %scan3A_57 = arith.constant 1 : i32
      %scan3A_58 = scf.for %scan3A_61 = %scan3A_54 to %scan3A_56 step %scan3A_57 iter_args(%scan3A_62 = %scan3A_53) -> (i32)  : i32 {
        %get3A = arith.index_cast %scan3A_61 : i32 to index
        %get3A_63 = arith.constant 0 : index
        %get3A_64 = tpu.vector_load %arg9[%get3A, %get3A_63] {strides = array<i32>} : memref<128x128xf32, #tpu.memory_space<vmem>>, vector<1x16xf32>,
        %get3A_65 = vector.shape_cast %get3A_64 : vector<1x16xf32> to vector<16xf32>
        %get3A_66 = arith.index_cast %scan3A_61 : i32 to index
        %get3A_67 = arith.constant 16 : index
        %get3A_68 = tpu.vector_load %arg9[%get3A_66, %get3A_67] {strides = array<i32>} : memref<128x128xf32, #tpu.memory_space<vmem>>, vector<1x16xf32>,
        %get3A_69 = vector.shape_cast %get3A_68 : vector<1x16xf32> to vector<16xf32>
        %get3A_70 = arith.index_cast %scan3A_61 : i32 to index
        %get3A_71 = arith.constant 0 : index
        %get3A_72 = tpu.vector_load %arg10[%get3A_70, %get3A_71] {strides = array<i32>} : memref<128x72xf32, #tpu.memory_space<vmem>>, vector<1x16xf32>,
        %get3A_73 = vector.shape_cast %get3A_72 : vector<1x16xf32> to vector<16xf32>
        %mul3A_74 = arith.mulf %get3A_65, %get3A_73 : vector<16xf32>
        %swap3A = arith.index_cast %scan3A_61 : i32 to index
        %swap3A_75 = arith.constant 0 : index
        %swap3A_76 = tpu.vector_load %arg11[%swap3A, %swap3A_75] {strides = array<i32>} : memref<128x128xf32, #tpu.memory_space<vmem>>, vector<1x16xf32>,
        %swap3A_77 = vector.shape_cast %swap3A_76 : vector<1x16xf32> to vector<16xf32>
        %swap3A_78 = vector.shape_cast %mul3A_74 : vector<16xf32> to vector<1x16xf32>
        tpu.vector_store %arg11[%swap3A, %swap3A_75], %swap3A_78 {strides = array<i32>} : memref<128x128xf32, #tpu.memory_space<vmem>>, vector<1x16xf32>,
        %get3A_79 = arith.index_cast %scan3A_61 : i32 to index
        %get3A_80 = arith.constant 16 : index
        %get3A_81 = tpu.vector_load %arg10[%get3A_79, %get3A_80] {strides = array<i32>} : memref<128x72xf32, #tpu.memory_space<vmem>>, vector<1x16xf32>,
        %get3A_82 = vector.shape_cast %get3A_81 : vector<1x16xf32> to vector<16xf32>
        %mul3A_83 = arith.mulf %get3A_69, %get3A_82 : vector<16xf32>
        %swap3A_84 = arith.index_cast %scan3A_61 : i32 to index
        %swap3A_85 = arith.constant 16 : index
        %swap3A_86 = tpu.vector_load %arg11[%swap3A_84, %swap3A_85] {strides = array<i32>} : memref<128x128xf32, #tpu.memory_space<vmem>>, vector<1x16xf32>,
        %swap3A_87 = vector.shape_cast %swap3A_86 : vector<1x16xf32> to vector<16xf32>
        %swap3A_88 = vector.shape_cast %mul3A_83 : vector<16xf32> to vector<1x16xf32>
        tpu.vector_store %arg11[%swap3A_84, %swap3A_85], %swap3A_88 {strides = array<i32>} : memref<128x128xf32, #tpu.memory_space<vmem>>, vector<1x16xf32>,
        %get3A_89 = arith.index_cast %scan3A_61 : i32 to index
        %get3A_90 = arith.constant 32 : index
        %get3A_91 = tpu.vector_load %arg10[%get3A_89, %get3A_90] {strides = array<i32>} : memref<128x72xf32, #tpu.memory_space<vmem>>, vector<1x16xf32>,
        %get3A_92 = vector.shape_cast %get3A_91 : vector<1x16xf32> to vector<16xf32>
        %mul3A_93 = arith.mulf %get3A_65, %get3A_92 : vector<16xf32>
        %get3A_94 = arith.index_cast %scan3A_61 : i32 to index
        %get3A_95 = arith.constant 48 : index
        %get3A_96 = tpu.vector_load %arg10[%get3A_94, %get3A_95] {strides = array<i32>} : memref<128x72xf32, #tpu.memory_space<vmem>>, vector<1x16xf32>,
        %get3A_97 = vector.shape_cast %get3A_96 : vector<1x16xf32> to vector<16xf32>
        %mul3A_98 = arith.mulf %get3A_69, %get3A_97 : vector<16xf32>
        %get3A_99 = arith.index_cast %scan3A_61 : i32 to index
        %get3A_100 = arith.constant 56 : index
        %get3A_101 = tpu.vector_load %arg10[%get3A_99, %get3A_100] {strides = array<i32>} : memref<128x72xf32, #tpu.memory_space<vmem>>, vector<1x16xf32>,
        %get3A_102 = vector.shape_cast %get3A_101 : vector<1x16xf32> to vector<16xf32>
        %slice3A = vector.extract_strided_slice %get3A_102 {offsets = [8], sizes = [1], strides = [1]} : vector<16xf32> to vector<1xf32>
        %squeeze3A = vector.extract %slice3A[0] : f32 from vector<1xf32>
        %slice3A_103 = vector.extract_strided_slice %get3A_102 {offsets = [9], sizes = [1], strides = [1]} : vector<16xf32> to vector<1xf32>
        %squeeze3A_104 = vector.extract %slice3A_103[0] : f32 from vector<1xf32>
        %slice3A_105 = vector.extract_strided_slice %get3A_102 {offsets = [10], sizes = [1], strides = [1]} : vector<16xf32> to vector<1xf32>
        %squeeze3A_106 = vector.extract %slice3A_105[0] : f32 from vector<1xf32>
        %mul3A_107 = vector.broadcast %squeeze3A : f32 to vector<16xf32>
        %mul3A_108 = arith.mulf %mul3A_93, %mul3A_107 : vector<16xf32>
        %swap3A_109 = arith.index_cast %scan3A_61 : i32 to index
        %swap3A_110 = arith.constant 32 : index
        %swap3A_111 = tpu.vector_load %arg11[%swap3A_109, %swap3A_110] {strides = array<i32>} : memref<128x128xf32, #tpu.memory_space<vmem>>, vector<1x16xf32>,
        %swap3A_112 = vector.shape_cast %swap3A_111 : vector<1x16xf32> to vector<16xf32>
        %swap3A_113 = vector.shape_cast %mul3A_108 : vector<16xf32> to vector<1x16xf32>
        tpu.vector_store %arg11[%swap3A_109, %swap3A_110], %swap3A_113 {strides = array<i32>} : memref<128x128xf32, #tpu.memory_space<vmem>>, vector<1x16xf32>,
        %mul3A_114 = vector.broadcast %squeeze3A : f32 to vector<16xf32>
        %mul3A_115 = arith.mulf %mul3A_98, %mul3A_114 : vector<16xf32>
        %swap3A_116 = arith.index_cast %scan3A_61 : i32 to index
        %swap3A_117 = arith.constant 48 : index
        %swap3A_118 = tpu.vector_load %arg11[%swap3A_116, %swap3A_117] {strides = array<i32>} : memref<128x128xf32, #tpu.memory_space<vmem>>, vector<1x16xf32>,
        %swap3A_119 = vector.shape_cast %swap3A_118 : vector<1x16xf32> to vector<16xf32>
        %swap3A_120 = vector.shape_cast %mul3A_115 : vector<16xf32> to vector<1x16xf32>
        tpu.vector_store %arg11[%swap3A_116, %swap3A_117], %swap3A_120 {strides = array<i32>} : memref<128x128xf32, #tpu.memory_space<vmem>>, vector<1x16xf32>,
        %mul3A_121 = vector.broadcast %squeeze3A_104 : f32 to vector<16xf32>
        %mul3A_122 = arith.mulf %mul3A_93, %mul3A_121 : vector<16xf32>
        %swap3A_123 = arith.index_cast %scan3A_61 : i32 to index
        %swap3A_124 = arith.constant 64 : index
        %swap3A_125 = tpu.vector_load %arg11[%swap3A_123, %swap3A_124] {strides = array<i32>} : memref<128x128xf32, #tpu.memory_space<vmem>>, vector<1x16xf32>,
        %swap3A_126 = vector.shape_cast %swap3A_125 : vector<1x16xf32> to vector<16xf32>
        %swap3A_127 = vector.shape_cast %mul3A_122 : vector<16xf32> to vector<1x16xf32>
        tpu.vector_store %arg11[%swap3A_123, %swap3A_124], %swap3A_127 {strides = array<i32>} : memref<128x128xf32, #tpu.memory_space<vmem>>, vector<1x16xf32>,
        %mul3A_128 = vector.broadcast %squeeze3A_104 : f32 to vector<16xf32>
        %mul3A_129 = arith.mulf %mul3A_98, %mul3A_128 : vector<16xf32>
        %swap3A_130 = arith.index_cast %scan3A_61 : i32 to index
        %swap3A_131 = arith.constant 80 : index
        %swap3A_132 = tpu.vector_load %arg11[%swap3A_130, %swap3A_131] {strides = array<i32>} : memref<128x128xf32, #tpu.memory_space<vmem>>, vector<1x16xf32>,
        %swap3A_133 = vector.shape_cast %swap3A_132 : vector<1x16xf32> to vector<16xf32>
        %swap3A_134 = vector.shape_cast %mul3A_129 : vector<16xf32> to vector<1x16xf32>
        tpu.vector_store %arg11[%swap3A_130, %swap3A_131], %swap3A_134 {strides = array<i32>} : memref<128x128xf32, #tpu.memory_space<vmem>>, vector<1x16xf32>,
        %mul3A_135 = vector.broadcast %squeeze3A_106 : f32 to vector<16xf32>
        %mul3A_136 = arith.mulf %mul3A_93, %mul3A_135 : vector<16xf32>
        %swap3A_137 = arith.index_cast %scan3A_61 : i32 to index
        %swap3A_138 = arith.constant 96 : index
        %swap3A_139 = tpu.vector_load %arg11[%swap3A_137, %swap3A_138] {strides = array<i32>} : memref<128x128xf32, #tpu.memory_space<vmem>>, vector<1x16xf32>,
        %swap3A_140 = vector.shape_cast %swap3A_139 : vector<1x16xf32> to vector<16xf32>
        %swap3A_141 = vector.shape_cast %mul3A_136 : vector<16xf32> to vector<1x16xf32>
        tpu.vector_store %arg11[%swap3A_137, %swap3A_138], %swap3A_141 {strides = array<i32>} : memref<128x128xf32, #tpu.memory_space<vmem>>, vector<1x16xf32>,
        %mul3A_142 = vector.broadcast %squeeze3A_106 : f32 to vector<16xf32>
        %mul3A_143 = arith.mulf %mul3A_98, %mul3A_142 : vector<16xf32>
        %swap3A_144 = arith.index_cast %scan3A_61 : i32 to index
        %swap3A_145 = arith.constant 112 : index
        %swap3A_146 = tpu.vector_load %arg11[%swap3A_144, %swap3A_145] {strides = array<i32>} : memref<128x128xf32, #tpu.memory_space<vmem>>, vector<1x16xf32>,
        %swap3A_147 = vector.shape_cast %swap3A_146 : vector<1x16xf32> to vector<16xf32>
        %swap3A_148 = vector.shape_cast %mul3A_143 : vector<16xf32> to vector<1x16xf32>
        tpu.vector_store %arg11[%swap3A_144, %swap3A_145], %swap3A_148 {strides = array<i32>} : memref<128x128xf32, #tpu.memory_space<vmem>>, vector<1x16xf32>,
        %scan3A_149 = arith.constant 0 : i32
        scf.yield %scan3A_149 : i32
      }
      %scan3A_59 = arith.constant 128 : i32
      "tpu.region"() ({
        %run_scoped3A = tpu.sem_alloc : memref<!tpu.dma_semaphore, #tpu.memory_space<semaphore_mem>>
        %dma_start3A_61 = arith.constant 0 : i32
        %dma_start3A_62 = arith.constant 0 : i32
        %dma_start3A_63 = tpu.memref_slice %arg12[%dma_start3A_61, %dma_start3A_62] : memref<10112x128xf32, #tpu.memory_space<vmem_shared>> -> memref<10112x128xf32, #tpu.memory_space<vmem_shared>>
        tpu.enqueue_indirect_dma source(%arg11 : memref<128x128xf32, #tpu.memory_space<vmem>>) target(%dma_start3A_63 : memref<10112x128xf32, #tpu.memory_space<vmem_shared>>) offsets(%arg8 : memref<128xi32, #tpu.memory_space<vmem>>) semaphore(%run_scoped3A : memref<!tpu.dma_semaphore, #tpu.memory_space<semaphore_mem>>) {add = true}
        %dma_wait3A_64 = arith.constant 0 : i32
        %dma_wait3A_65 = arith.constant 0 : i32
        %dma_wait3A_66 = tpu.memref_slice %arg12[%dma_wait3A_64, %dma_wait3A_65] : memref<10112x128xf32, #tpu.memory_space<vmem_shared>> -> memref<10112x128xf32, #tpu.memory_space<vmem_shared>>
        tpu.wait_indirect_dma semaphore(%run_scoped3A : memref<!tpu.dma_semaphore, #tpu.memory_space<semaphore_mem>>) src(%arg11 : memref<128x128xf32, #tpu.memory_space<vmem>>) dst(%dma_wait3A_66 : memref<10112x128xf32, #tpu.memory_space<vmem_shared>>)
        tpu.yield
      }) : () -> ()
      %scan3A_60 = arith.constant 0 : i32
      scf.yield %scan3A_60 : i32
    }
    %scan3A_26 = arith.constant 79 : i32
    %barrier3A_27 = arith.constant 0 : index
    tpu.barrier barrier_id(%barrier3A_27)
    "tpu.region"() ({
      %run_scoped3A = tpu.sem_alloc : memref<!tpu.dma_semaphore, #tpu.memory_space<semaphore_mem>>
      %dma_start3A = arith.constant 0 : i32
      %dma_start3A_28 = tpu.memref_slice %arg6[%arg0, %mul3A_8, %dma_start3A] : memref<2x10112x128xf32, #tpu.memory_space<hbm>> -> memref<1x632x128xf32, #tpu.memory_space<hbm>>
      %dma_start3A_29 = tpu.memref_squeeze %dma_start3A_28 : memref<1x632x128xf32, #tpu.memory_space<hbm>> -> memref<632x128xf32, #tpu.memory_space<hbm>>
      %dma_start3A_30 = arith.constant 0 : i32
      %dma_start3A_31 = tpu.memref_slice %arg12[%mul3A_8, %dma_start3A_30] : memref<10112x128xf32, #tpu.memory_space<vmem_shared>> -> memref<632x128xf32, #tpu.memory_space<vmem_shared>>
      tpu.enqueue_dma source(%dma_start3A_31 : memref<632x128xf32, #tpu.memory_space<vmem_shared>>) target(%dma_start3A_29 : memref<632x128xf32, #tpu.memory_space<hbm>>) target_semaphore(%run_scoped3A : memref<!tpu.dma_semaphore, #tpu.memory_space<semaphore_mem>>)
      %dma_wait3A = arith.constant 0 : i32
      %dma_wait3A_32 = tpu.memref_slice %arg6[%arg0, %mul3A_8, %dma_wait3A] : memref<2x10112x128xf32, #tpu.memory_space<hbm>> -> memref<1x632x128xf32, #tpu.memory_space<hbm>>
      %dma_wait3A_33 = tpu.memref_squeeze %dma_wait3A_32 : memref<1x632x128xf32, #tpu.memory_space<hbm>> -> memref<632x128xf32, #tpu.memory_space<hbm>>
      %dma_wait3A_34 = arith.constant 0 : i32
      %dma_wait3A_35 = tpu.memref_slice %arg12[%mul3A_8, %dma_wait3A_34] : memref<10112x128xf32, #tpu.memory_space<vmem_shared>> -> memref<632x128xf32, #tpu.memory_space<vmem_shared>>
      tpu.wait_dma2 semaphore(%run_scoped3A : memref<!tpu.dma_semaphore, #tpu.memory_space<semaphore_mem>>) src(%dma_wait3A_35 : memref<632x128xf32, #tpu.memory_space<vmem_shared>>) dst(%dma_wait3A_33 : memref<632x128xf32, #tpu.memory_space<hbm>>)
      tpu.yield
    }) : () -> ()
    return
  }
}

module attributes {stable_mosaic.version = 14 : i64} {
  func.func @_node_lin_body(%arg0: memref<10000x32xf32, #tpu.memory_space<vmem>>, %arg1: memref<32x32xf32, #tpu.memory_space<vmem>>, %arg2: memref<10000x128xf32, #tpu.memory_space<vmem>>) attributes {dimension_semantics = [], scalar_prefetch = 0 : i64, scratch_operands = 0 : i64, tpu.core_type = #tpu.core_type<tc>} {
    %get3A = arith.constant 0 : index
    %get3A_0 = arith.constant 0 : index
    %get3A_1 = vector.load %arg0[%get3A, %get3A_0] : memref<10000x32xf32, #tpu.memory_space<vmem>>, vector<10000x32xf32>
    %get3A_2 = arith.constant 0 : index
    %get3A_3 = arith.constant 0 : index
    %get3A_4 = vector.load %arg1[%get3A_2, %get3A_3] : memref<32x32xf32, #tpu.memory_space<vmem>>, vector<32x32xf32>
    %dot_general3A = arith.constant dense<0.000000e+00> : vector<10000x32xf32>
    %dot_general3A_5 = tpu.matmul %get3A_1, %get3A_4, %dot_general3A {dimension_numbers = #tpu.dot_dimension_numbers<[1], [0], [0], [1], [0, 0, 1, 1], [], []>, transpose_lhs_hint = false} : vector<10000x32xf32>, vector<32x32xf32>, vector<10000x32xf32> -> vector<10000x32xf32>
    %mul3A = arith.constant 0.176776692 : f32
    %mul3A_6 = vector.broadcast %mul3A : f32 to vector<10000x32xf32>
    %mul3A_7 = arith.mulf %dot_general3A_5, %mul3A_6 : vector<10000x32xf32>
    %broadcast_in_dim3A = arith.constant 0.000000e+00 : f32
    %broadcast_in_dim3A_8 = vector.broadcast %broadcast_in_dim3A : f32 to vector<10000x96xf32>
    %concatenate3A = tpu.concatenate %mul3A_7, %broadcast_in_dim3A_8 in 1 : vector<10000x32xf32>, vector<10000x96xf32> -> vector<10000x128xf32>
    %swap3A = arith.constant 0 : index
    %swap3A_9 = arith.constant 0 : index
    %swap3A_10 = vector.load %arg2[%swap3A, %swap3A_9] : memref<10000x128xf32, #tpu.memory_space<vmem>>, vector<10000x128xf32>
    tpu.vector_store %arg2[%swap3A, %swap3A_9], %concatenate3A {strides = array<i32>} : memref<10000x128xf32, #tpu.memory_space<vmem>>, vector<10000x128xf32>,
    return
  }
}

module attributes {stable_mosaic.version = 14 : i64} {
  func.func @_edge_prep_body(%arg0: i32, %arg1: memref<2048x12xf32, #tpu.memory_space<vmem>>, %arg2: memref<2048x3xf32, #tpu.memory_space<vmem>>, %arg3: memref<12x64xf32, #tpu.memory_space<vmem>>, %arg4: memref<2048x72xf32, #tpu.memory_space<vmem>>) attributes {dimension_semantics = [#tpu.dimension_semantics<arbitrary>], iteration_bounds = array<i64: 158>, scalar_prefetch = 0 : i64, scratch_operands = 0 : i64, tpu.core_type = #tpu.core_type<tc>, window_params = [{transform_indices = @transform_0, window_bounds = array<i64: 2048, 12>}, {transform_indices = @transform_1, window_bounds = array<i64: 2048, 3>}, {pipeline_mode = #tpu.pipeline_mode<synchronous>, transform_indices = @transform_2, window_bounds = array<i64: 12, 64>}, {transform_indices = @transform_3, window_bounds = array<i64: 2048, 72>}]} {
    %get3A = arith.constant 0 : index
    %get3A_0 = arith.constant 0 : index
    %get3A_1 = vector.load %arg1[%get3A, %get3A_0] : memref<2048x12xf32, #tpu.memory_space<vmem>>, vector<2048x12xf32>
    %get3A_2 = arith.constant 0 : index
    %get3A_3 = arith.constant 0 : index
    %get3A_4 = vector.load %arg3[%get3A_2, %get3A_3] : memref<12x64xf32, #tpu.memory_space<vmem>>, vector<12x64xf32>
    %dot_general3A = arith.constant dense<0.000000e+00> : vector<2048x64xf32>
    %dot_general3A_5 = tpu.matmul %get3A_1, %get3A_4, %dot_general3A {dimension_numbers = #tpu.dot_dimension_numbers<[1], [0], [0], [1], [0, 0, 1, 1], [], []>, transpose_lhs_hint = false} : vector<2048x12xf32>, vector<12x64xf32>, vector<2048x64xf32> -> vector<2048x64xf32>
    %mul3A = arith.constant 0.288675129 : f32
    %mul3A_6 = vector.broadcast %mul3A : f32 to vector<2048x64xf32>
    %mul3A_7 = arith.mulf %dot_general3A_5, %mul3A_6 : vector<2048x64xf32>
    %get3A_8 = arith.constant 0 : index
    %get3A_9 = arith.constant 0 : index
    %get3A_10 = vector.load %arg2[%get3A_8, %get3A_9] : memref<2048x3xf32, #tpu.memory_space<vmem>>, vector<2048x3xf32>
    %mul3A_11 = arith.mulf %get3A_10, %get3A_10 : vector<2048x3xf32>
    %reduce_sum3A = arith.constant dense<0.000000e+00> : vector<2048xf32>
    %reduce_sum3A_12 = vector.multi_reduction <add>, %mul3A_11, %reduce_sum3A [1] : vector<2048x3xf32> to vector<2048xf32>
    %broadcast_in_dim3A = vector.shape_cast %reduce_sum3A_12 : vector<2048xf32> to vector<2048x1xf32>
    %sqrt3A = math.sqrt %broadcast_in_dim3A : vector<2048x1xf32>
    %mul3A_13 = arith.constant 1.73205078 : f32
    %mul3A_14 = vector.broadcast %mul3A_13 : f32 to vector<2048x3xf32>
    %mul3A_15 = arith.mulf %mul3A_14, %get3A_10 : vector<2048x3xf32>
    %add3A = arith.constant 9.99999996E-13 : f32
    %add3A_16 = vector.broadcast %add3A : f32 to vector<2048x1xf32>
    %add3A_17 = arith.addf %sqrt3A, %add3A_16 : vector<2048x1xf32>
    %div3A = vector.broadcast %add3A_17 : vector<2048x1xf32> to vector<2048x3xf32>
    %div3A_18 = arith.divf %mul3A_15, %div3A : vector<2048x3xf32>
    %broadcast_in_dim3A_19 = arith.constant 0.000000e+00 : f32
    %broadcast_in_dim3A_20 = vector.broadcast %broadcast_in_dim3A_19 : f32 to vector<2048x5xf32>
    %concatenate3A = tpu.concatenate %mul3A_7, %div3A_18, %broadcast_in_dim3A_20 in 1 : vector<2048x64xf32>, vector<2048x3xf32>, vector<2048x5xf32> -> vector<2048x72xf32>
    %swap3A = arith.constant 0 : index
    %swap3A_21 = arith.constant 0 : index
    %swap3A_22 = vector.load %arg4[%swap3A, %swap3A_21] : memref<2048x72xf32, #tpu.memory_space<vmem>>, vector<2048x72xf32>
    tpu.vector_store %arg4[%swap3A, %swap3A_21], %concatenate3A {strides = array<i32>} : memref<2048x72xf32, #tpu.memory_space<vmem>>, vector<2048x72xf32>,
    return
  }
  func.func @transform_0(%arg0: i32) -> (i32, i32) {
    %c0_i32 = arith.constant 0 : i32
    %c0_i32_0 = arith.constant 0 : i32
    return %arg0, %c0_i32 : i32, i32
  }
  func.func @transform_1(%arg0: i32) -> (i32, i32) {
    %c0_i32 = arith.constant 0 : i32
    %c0_i32_0 = arith.constant 0 : i32
    return %arg0, %c0_i32 : i32, i32
  }
  func.func @transform_2(%arg0: i32) -> (i32, i32) {
    %c0_i32 = arith.constant 0 : i32
    %c0_i32_0 = arith.constant 0 : i32
    %c0_i32_1 = arith.constant 0 : i32
    return %c0_i32, %c0_i32_0 : i32, i32
  }
  func.func @transform_3(%arg0: i32) -> (i32, i32) {
    %c0_i32 = arith.constant 0 : i32
    %c0_i32_0 = arith.constant 0 : i32
    return %arg0, %c0_i32 : i32, i32
  }
}

module attributes {stable_mosaic.version = 14 : i64} {
  func.func @_post_body(%arg0: i32, %arg1: memref<2x2000x128xf32, #tpu.memory_space<vmem>>, %arg2: memref<2000x32xf32, #tpu.memory_space<vmem>>, %arg3: memref<64x48xf32, #tpu.memory_space<vmem>>, %arg4: memref<96x48xf32, #tpu.memory_space<vmem>>, %arg5: memref<16x48xf32, #tpu.memory_space<vmem>>, %arg6: memref<2000x80xf32, #tpu.memory_space<vmem>>) attributes {dimension_semantics = [#tpu.dimension_semantics<arbitrary>], iteration_bounds = array<i64: 5>, scalar_prefetch = 0 : i64, scratch_operands = 0 : i64, tpu.core_type = #tpu.core_type<tc>, window_params = [{transform_indices = @transform_0, window_bounds = array<i64: 2, 2000, 128>}, {transform_indices = @transform_1, window_bounds = array<i64: 2000, 32>}, {pipeline_mode = #tpu.pipeline_mode<synchronous>, transform_indices = @transform_2, window_bounds = array<i64: 64, 48>}, {pipeline_mode = #tpu.pipeline_mode<synchronous>, transform_indices = @transform_3, window_bounds = array<i64: 96, 48>}, {pipeline_mode = #tpu.pipeline_mode<synchronous>, transform_indices = @transform_4, window_bounds = array<i64: 16, 48>}, {transform_indices = @transform_5, window_bounds = array<i64: 2000, 80>}]} {
    %get3A = arith.constant 0 : index
    %get3A_0 = arith.constant 0 : index
    %get3A_1 = arith.constant 0 : index
    %get3A_2 = vector.load %arg1[%get3A, %get3A_0, %get3A_1] : memref<2x2000x128xf32, #tpu.memory_space<vmem>>, vector<1x2000x128xf32>
    %get3A_3 = vector.shape_cast %get3A_2 : vector<1x2000x128xf32> to vector<2000x128xf32>
    %get3A_4 = arith.constant 1 : index
    %get3A_5 = arith.constant 0 : index
    %get3A_6 = arith.constant 0 : index
    %get3A_7 = vector.load %arg1[%get3A_4, %get3A_5, %get3A_6] : memref<2x2000x128xf32, #tpu.memory_space<vmem>>, vector<1x2000x128xf32>
    %get3A_8 = vector.shape_cast %get3A_7 : vector<1x2000x128xf32> to vector<2000x128xf32>
    %add3A = arith.addf %get3A_3, %get3A_8 : vector<2000x128xf32>
    %slice3A = vector.extract_strided_slice %add3A {offsets = [0, 0], sizes = [2000, 32], strides = [1, 1]} : vector<2000x128xf32> to vector<2000x32xf32>
    %slice3A_9 = vector.extract_strided_slice %add3A {offsets = [0, 32], sizes = [2000, 96], strides = [1, 1]} : vector<2000x128xf32> to vector<2000x96xf32>
    %get3A_10 = arith.constant 0 : index
    %get3A_11 = arith.constant 0 : index
    %get3A_12 = vector.load %arg2[%get3A_10, %get3A_11] : memref<2000x32xf32, #tpu.memory_space<vmem>>, vector<2000x32xf32>
    %concatenate3A = tpu.concatenate %slice3A, %get3A_12 in 1 : vector<2000x32xf32>, vector<2000x32xf32> -> vector<2000x64xf32>
    %get3A_13 = arith.constant 0 : index
    %get3A_14 = arith.constant 0 : index
    %get3A_15 = vector.load %arg3[%get3A_13, %get3A_14] : memref<64x48xf32, #tpu.memory_space<vmem>>, vector<64x48xf32>
    %dot_general3A = arith.constant dense<0.000000e+00> : vector<2000x48xf32>
    %dot_general3A_16 = tpu.matmul %concatenate3A, %get3A_15, %dot_general3A {dimension_numbers = #tpu.dot_dimension_numbers<[1], [0], [0], [1], [0, 0, 1, 1], [], []>, transpose_lhs_hint = false} : vector<2000x64xf32>, vector<64x48xf32>, vector<2000x48xf32> -> vector<2000x48xf32>
    %mul3A = arith.constant 0.176776692 : f32
    %mul3A_17 = vector.broadcast %mul3A : f32 to vector<2000x48xf32>
    %mul3A_18 = arith.mulf %dot_general3A_16, %mul3A_17 : vector<2000x48xf32>
    %get3A_19 = arith.constant 0 : index
    %get3A_20 = arith.constant 0 : index
    %get3A_21 = vector.load %arg4[%get3A_19, %get3A_20] : memref<96x48xf32, #tpu.memory_space<vmem>>, vector<96x48xf32>
    %dot_general3A_22 = arith.constant dense<0.000000e+00> : vector<2000x48xf32>
    %dot_general3A_23 = tpu.matmul %slice3A_9, %get3A_21, %dot_general3A_22 {dimension_numbers = #tpu.dot_dimension_numbers<[1], [0], [0], [1], [0, 0, 1, 1], [], []>, transpose_lhs_hint = false} : vector<2000x96xf32>, vector<96x48xf32>, vector<2000x48xf32> -> vector<2000x48xf32>
    %mul3A_24 = arith.constant 0.176776692 : f32
    %mul3A_25 = vector.broadcast %mul3A_24 : f32 to vector<2000x48xf32>
    %mul3A_26 = arith.mulf %dot_general3A_23, %mul3A_25 : vector<2000x48xf32>
    %slice3A_27 = vector.extract_strided_slice %mul3A_18 {offsets = [0, 0], sizes = [2000, 32], strides = [1, 1]} : vector<2000x48xf32> to vector<2000x32xf32>
    %slice3A_28 = vector.extract_strided_slice %mul3A_18 {offsets = [0, 0], sizes = [2000, 32], strides = [1, 1]} : vector<2000x48xf32> to vector<2000x32xf32>
    %logistic3A = arith.negf %slice3A_28 : vector<2000x32xf32>
    %logistic3A_29 = math.exp %logistic3A : vector<2000x32xf32>
    %logistic3A_30 = arith.constant 1.000000e+00 : f32
    %logistic3A_31 = vector.broadcast %logistic3A_30 : f32 to vector<2000x32xf32>
    %logistic3A_32 = arith.addf %logistic3A_31, %logistic3A_29 : vector<2000x32xf32>
    %logistic3A_33 = arith.divf %logistic3A_31, %logistic3A_32 : vector<2000x32xf32>
    %mul3A_34 = arith.mulf %slice3A_27, %logistic3A_33 : vector<2000x32xf32>
    %slice3A_35 = vector.extract_strided_slice %mul3A_18 {offsets = [0, 32], sizes = [2000, 16], strides = [1, 1]} : vector<2000x48xf32> to vector<2000x16xf32>
    %logistic3A_36 = arith.negf %slice3A_35 : vector<2000x16xf32>
    %logistic3A_37 = math.exp %logistic3A_36 : vector<2000x16xf32>
    %logistic3A_38 = arith.constant 1.000000e+00 : f32
    %logistic3A_39 = vector.broadcast %logistic3A_38 : f32 to vector<2000x16xf32>
    %logistic3A_40 = arith.addf %logistic3A_39, %logistic3A_37 : vector<2000x16xf32>
    %logistic3A_41 = arith.divf %logistic3A_39, %logistic3A_40 : vector<2000x16xf32>
    %get3A_42 = arith.constant 0 : index
    %get3A_43 = arith.constant 0 : index
    %get3A_44 = vector.load %arg5[%get3A_42, %get3A_43] : memref<16x48xf32, #tpu.memory_space<vmem>>, vector<16x48xf32>
    %dot_general3A_45 = arith.constant dense<0.000000e+00> : vector<2000x48xf32>
    %dot_general3A_46 = tpu.matmul %logistic3A_41, %get3A_44, %dot_general3A_45 {dimension_numbers = #tpu.dot_dimension_numbers<[1], [0], [0], [1], [0, 0, 1, 1], [], []>, transpose_lhs_hint = false} : vector<2000x16xf32>, vector<16x48xf32>, vector<2000x48xf32> -> vector<2000x48xf32>
    %mul3A_47 = arith.mulf %mul3A_26, %dot_general3A_46 : vector<2000x48xf32>
    %concatenate3A_48 = tpu.concatenate %mul3A_34, %mul3A_47 in 1 : vector<2000x32xf32>, vector<2000x48xf32> -> vector<2000x80xf32>
    %swap3A = arith.constant 0 : index
    %swap3A_49 = arith.constant 0 : index
    %swap3A_50 = vector.load %arg6[%swap3A, %swap3A_49] : memref<2000x80xf32, #tpu.memory_space<vmem>>, vector<2000x80xf32>
    tpu.vector_store %arg6[%swap3A, %swap3A_49], %concatenate3A_48 {strides = array<i32>} : memref<2000x80xf32, #tpu.memory_space<vmem>>, vector<2000x80xf32>,
    return
  }
  func.func @transform_0(%arg0: i32) -> (i32, i32, i32) {
    %c0_i32 = arith.constant 0 : i32
    %c0_i32_0 = arith.constant 0 : i32
    %c0_i32_1 = arith.constant 0 : i32
    return %c0_i32, %arg0, %c0_i32_0 : i32, i32, i32
  }
  func.func @transform_1(%arg0: i32) -> (i32, i32) {
    %c0_i32 = arith.constant 0 : i32
    %c0_i32_0 = arith.constant 0 : i32
    return %arg0, %c0_i32 : i32, i32
  }
  func.func @transform_2(%arg0: i32) -> (i32, i32) {
    %c0_i32 = arith.constant 0 : i32
    %c0_i32_0 = arith.constant 0 : i32
    %c0_i32_1 = arith.constant 0 : i32
    return %c0_i32, %c0_i32_0 : i32, i32
  }
  func.func @transform_3(%arg0: i32) -> (i32, i32) {
    %c0_i32 = arith.constant 0 : i32
    %c0_i32_0 = arith.constant 0 : i32
    %c0_i32_1 = arith.constant 0 : i32
    return %c0_i32, %c0_i32_0 : i32, i32
  }
  func.func @transform_4(%arg0: i32) -> (i32, i32) {
    %c0_i32 = arith.constant 0 : i32
    %c0_i32_0 = arith.constant 0 : i32
    %c0_i32_1 = arith.constant 0 : i32
    return %c0_i32, %c0_i32_0 : i32, i32
  }
  func.func @transform_5(%arg0: i32) -> (i32, i32) {
    %c0_i32 = arith.constant 0 : i32
    %c0_i32_0 = arith.constant 0 : i32
    return %arg0, %c0_i32 : i32, i32
  }
}

</mosaic_0001>

<sc_bundles>
// kernel: kernel.6.cloned.1.call-start
scs
__scs_entry_jumppad:
0x0: {  	(pc) =	sbr.rel $0x88, $3  }
0x1: {  	(tag) =	ssettag $0x0;
	lr =	simm.s32 $0x1  }
0x2: {  	[smem:$0x3F98] =	sst lr;
	_ =	strace $0xD0000000  }
0x3: {  	_ = 	snop  }
0x4: {  	_ = 	snop  }
0x5: {  	_ = 	snop  }
0x6: {  	_ = 	snop  }
0x7: {  	_ = 	snop  }
__scs_overlays_trampoline_lowered:
0x8: {  	[smem:$0x3FA7] =	sst s0  }
0x9: {  	[smem:$0x3FA8] =	sst s1  }
0xa: {  	[smem:$0x3FA9] =	sst s2  }
0xb: {  	[smem:$0x3FAA] =	sst s3  }
0xc: {  	[smem:$0x3FAB] =	sst s4  }
0xd: {  	[smem:$0x3FAC] =	sst s5  }
0xe: {  	[smem:$0x3FAD] =	sst s6  }
0xf: {  	[smem:$0x3FAE] =	sst s7  }
0x10: {  	[smem:$0x3FAF] =	sst s8  }
0x11: {  	[smem:$0x3FB0] =	sst s9;
	s0 =	simm.s32 @!p0 $0x0  }
0x12: {  	s1 =	sld [smem:$0x3F96];
	s0 =	simm.s32 @p0 $0x1  }
0x13: {  	[smem:$0x3FB1] =	sst s0;
	s0 =	simm.s32 @!p1 $0x0  }
0x14: {  	s2 =	sld [smem:$0x3F95];
	s0 =	simm.s32 @p1 $0x1  }
0x15: {  	[smem:$0x3FB2] =	sst s0;
	s0 =	simm.s32 @!p2 $0x0  }
0x16: {  	s3 =	sld [smem:$0x3FDB];
	s0 =	simm.s32 @p2 $0x1  }
0x17: {  	s4 =	simm.s32 $0x1BF5;
	[smem:$0x3FB4] =	sst s0  }
0x18: {  	s0 =	sld [smem:$0x3F97];
	_ =	swait.ge [sflag:s4], $0x0  }
0x19: {  	s7 =	sld [smem:$0x3F98]  }
0x1a: {  	s8 =	sadd.s32 $0xFFFFE003, lr  }
0x1b: {  	s9 =	sadd.s32 $0xFFFFFEF7, lr;
	s5 =	simm.s32 $0xFFFFFFFF;
	p2 =	slt.u32 s8, $0xFFFFF086  }
0x1c: {  	p1 =	slt.u32 s9, $0xF7A;
	s5 =	simm.s32 @!p2 $0x0  }
0x1d: {  	s5 =	simm.s32 @p1 $0x1;
	p0 =	seq.s32 s7, s2  }
0x1e: {  	s7 =	smul.u32 @!p0 $0xF7A, s2;
	p2 =	seq.s32 @!p0 s5, $0x0  }
0x1f: {  	s9 =	smul.u32 $0xF7A, s1;
	s8 =	simm.s32 @!p0 $0x1BF5;
	p2 =	por !p2, p0  }
0x20: {  	[sflag:s8] =	ssyncset.s32 @!p0 $0xFFFFF086;
	s6 =	sadd.s32 @!p0 s3, s7;
	s7 =	simm.s32 @!p0 $0x108  }
0x21: {  	s3 =	sadd.s32 s3, s9;
	s6 =	sadd.s32 @!p0 $0x88, s6;
	s7 =	simm.s32 @p2 $0x1082  }
0x22: {  	[simem:s7], [sflag:s8] =	dma.local @!p0 [hbm:s6], $0xF7A  }
0x23: {  	s9 =	sor.u32 $0xD0000000, s2;
	s6 =	simm.s32 $0x108;
	_ =	swait.ge @!p0 [sflag:s8], $0x0  }
0x24: {  	s3 =	sadd.s32 $0x88, s3;
	s6 =	simm.s32 @!p1 $0x1082;
	[sflag:s4] =	ssyncset.s32 $0xFFFFF086  }
0x25: {  	[simem:s6], [sflag:s4] =	dma.local [hbm:s3], $0xF7A  }
0x26: {  	[smem:$0x3F98] =	sst s1;
	(tag) =	ssettag s2;
	_ =	strace s9  }
0x27: {  	s1 =	sld [smem:$0x3FA8]  }
0x28: {  	s2 =	sld [smem:$0x3FA9]  }
0x29: {  	s4 =	sld [smem:$0x3FAB]  }
0x2a: {  	p0 =	seq.s32 s5, $0x0;
	s5 =	sld [smem:$0x3FAC]  }
0x2b: {  	s6 =	sld [smem:$0x3FAD]  }
0x2c: {  	s7 =	sld [smem:$0x3FAE]  }
0x2d: {  	s3 =	simm.s32 $0x108;
	s8 =	sld [smem:$0x3FAF]  }
0x2e: {  	s3 =	simm.s32 @!p0 $0x1082;
	s9 =	sld [smem:$0x3FB0]  }
0x2f: {  	lr =	sadd.s32 s0, s3;
	s0 =	sld [smem:$0x3FA7]  }
0x30: {  	s3 =	sld [smem:$0x3FAA]  }
0x31: {  	[smem:$0x3FB3] =	sst s10  }
0x32: {  	s10 =	sld [smem:$0x3FB1];
	_ =	sdelay $0x3  }
0x33: {  	p0 =	seq.s32 s10, $0x1;
	s10 =	sld [smem:$0x3FB3];
	_ =	sdelay $0x3  }
0x34: {  	[smem:$0x3FB3] =	sst s10  }
0x35: {  	s10 =	sld [smem:$0x3FB2];
	_ =	sdelay $0x3  }
0x36: {  	p1 =	seq.s32 s10, $0x1;
	s10 =	sld [smem:$0x3FB3];
	_ =	sdelay $0x3  }
0x37: {  	[smem:$0x3FB3] =	sst s10  }
0x38: {  	s10 =	sld [smem:$0x3FB4]  }
0x39: {  	_ = 	snop;
	(pc) =	sbr.ind lr, $3  }
0x3a: {  	_ = 	snop  }
0x3b: {  	_ = 	snop  }
0x3c: {  	p2 =	seq.s32 s10, $0x1;
	s10 =	sld [smem:$0x3FB3]  }
0x3d: {  	_ =	shalt  }
0x3e: {  	_ =	shalt  }
0x3f: {  	_ =	shalt  }
0x40: {  	_ =	shalt  }
0x41: {  	_ =	shalt  }
0x42: {  	_ =	shalt  }
0x43: {  	_ =	shalt  }
0x44: {  	_ =	shalt  }
0x45: {  	_ =	shalt  }
0x46: {  	_ =	shalt  }
0x47: {  	_ =	shalt  }
0x48: {  	_ =	shalt  }
0x49: {  	_ =	shalt  }
0x4a: {  	_ =	shalt  }
0x4b: {  	_ =	shalt  }
0x4c: {  	_ =	shalt  }
0x4d: {  	_ =	shalt  }
0x4e: {  	_ =	shalt  }
0x4f: {  	_ =	shalt  }
0x50: {  	_ =	shalt  }
0x51: {  	_ =	shalt  }
0x52: {  	_ =	shalt  }
0x53: {  	_ =	shalt  }
0x54: {  	_ =	shalt  }
0x55: {  	_ =	shalt  }
0x56: {  	_ =	shalt  }
0x57: {  	_ =	shalt  }
0x58: {  	_ =	shalt  }
0x59: {  	_ =	shalt  }
0x5a: {  	_ =	shalt  }
0x5b: {  	_ =	shalt  }
0x5c: {  	_ =	shalt  }
0x5d: {  	_ =	shalt  }
0x5e: {  	_ =	shalt  }
0x5f: {  	_ =	shalt  }
0x60: {  	_ =	shalt  }
0x61: {  	_ =	shalt  }
0x62: {  	_ =	shalt  }
0x63: {  	_ =	shalt  }
0x64: {  	_ =	shalt  }
0x65: {  	_ =	shalt  }
0x66: {  	_ =	shalt  }
0x67: {  	_ =	shalt  }
0x68: {  	_ =	shalt  }
0x69: {  	_ =	shalt  }
0x6a: {  	_ =	shalt  }
0x6b: {  	_ =	shalt  }
0x6c: {  	_ =	shalt  }
0x6d: {  	_ =	shalt  }
0x6e: {  	_ =	shalt  }
0x6f: {  	_ =	shalt  }
0x70: {  	_ =	shalt  }
0x71: {  	_ =	shalt  }
0x72: {  	_ =	shalt  }
0x73: {  	_ =	shalt  }
0x74: {  	_ =	shalt  }
0x75: {  	_ =	shalt  }
0x76: {  	_ =	shalt  }
0x77: {  	_ =	shalt  }
0x78: {  	_ =	shalt  }
0x79: {  	_ =	shalt  }
0x7a: {  	_ =	shalt  }
0x7b: {  	_ =	shalt  }
0x7c: {  	_ =	shalt  }
0x7d: {  	_ =	shalt  }
0x7e: {  	_ =	shalt  }
0x7f: {  	_ =	shalt  }
0x80: {  	_ =	shalt  }
0x81: {  	_ =	shalt  }
0x82: {  	_ =	shalt  }
0x83: {  	_ =	shalt  }
0x84: {  	_ =	shalt  }
0x85: {  	_ =	shalt  }
0x86: {  	_ =	shalt  }
0x87: {  	_ =	shalt  }
.Lfunc_end0:
.L_simem_size_0:
called_computation_lowered:
.L_overlay_start_0:
0x88: {  	s2 =	sld [smem:$0x3FD9]  }
0x89: {  	s3 =	sld [smem:$0x3FFE];
	_ =	sdelay $0x1  }
0x8a: {  	s1 =	srdreg.scid  }
0x8b: {  	s0 =	sand.u32 $0x1, s1  }
0x8c: {  	s17 =	sshll.u32 s0, $0xA;
	s2 =	sadd.s32 s3, s2  }
0x8d: {  	s2 =	sadd.s32 s2, s17  }
0x8e: {  	[smem:$0x3FBF] =	sst s2  }
0x8f: {  	_ = 	snop  }
0x90: {  	s2 =	sld [smem:$0x3FD0];
	(tm) =	ssettm $0x1  }
0x91: {  	s18 =	sld [smem:$0x3FFB];
	_ =	sdelay $0x3  }
0x92: {  	_ =	strace s18  }
0x93: {  	s3 =	sld [smem:$0x3FFC];
	_ =	sdelay $0x3  }
0x94: {  	_ =	strace s3  }
0x95: {  	s3 =	sld [smem:$0x3FFD];
	_ =	sdelay $0x3  }
0x96: {  	_ =	strace s3  }
0x97: {  	_ =	strace $0x8FFFFFFF  }
0x98: {  	s19 =	sld [smem:$0x3FDB];
	_ =	sdelay $0x1  }
0x99: {  	s4 =	simm.s32 $_scs_section_size  }
0x9a: {  	s5 =	simm.s32 $_size__tile_overlayer_lowered;
	s6 =	simm.s32 $_tile_overlayer_lowered  }
0x9b: {  	s22 =	simm.s32 $0x1BFF;
	s21 =	sshll.u32 s6, $0x1;
	s3 =	sadd.s32 s4, s19  }
0x9c: {  	s7 =	simm.s32 $0x0;
	s20 =	sshll.u32 s5, $0x1;
	s5 =	sadd.s32 s21, s3  }
0x9d: {  	[timem:s7], [sflag:s22] =	dma.local [hbm:s5], s20  }
0x9e: {  	_ =	swait.ge [sflag:s22], s20  }
0x9f: {  	s4 =	ssub.s32 $0x0, s20;
	[sflag:s22] =	ssyncset.done $0x0  }
0xa0: {  	[sflag:s22] =	ssyncadd.s32 s4;
	_ =	sdelay $0x1  }
0xa1: {  	s23 =	simm.s32 $0x1B8B  }
0xa2: {  	_ =	swait.ge [sflag:s23], $0x1  }
0xa3: {  	[sflag:s23] =	ssyncset.done $0x0  }
0xa4: {  	s25 =	simm.s32 $0x1B8E;
	s24 =	sld [smem:$0x3FFE];
	[sflag:s23] =	ssyncadd.s32 $0xFFFFFFFF  }
0xa5: {  	s26 =	simm.s32 $execute0_lowered;
	[smem:$0x3FD2] =	sst s25  }
0xa6: {  	s5 =	sshll.u32 s26, $0x1;
	_ =	strace $0x80000046;
	[dreg:$0x1] =	wrdreg $0xFFFFFFFF  }
0xa7: {  	s28 =	simm.s32 $_size_execute0_lowered;
	s3 =	sadd.s32 s3, s5;
	[dreg:$0x0] =	wrdreg $0x0  }
0xa8: {  	s5 =	sshll.u32 s28, $0x1;
	[dreg:$0x2] =	wrdreg s3  }
0xa9: {  	[dreg:$0x3] =	wrdreg s5  }
0xaa: {  	[dreg:$0x4] =	wrdreg $0xC0  }
0xab: {  	_ =	task [dreg:s7], $0x5FFFF  }
0xac: {  	[dreg:$0x1] =	wrdreg $0xFFFFFFFF  }
0xad: {  	[dreg:$0x0] =	wrdreg $0x60  }
0xae: {  	[dreg:$0x2] =	wrdreg s24  }
0xaf: {  	[dreg:$0x3] =	wrdreg s2  }
0xb0: {  	[dreg:$0x4] =	wrdreg $0xC1000  }
0xb1: {  	[dreg:$0x5] =	wrdreg $0x9  }
0xb2: {  	_ =	task.clear_ibuf [dreg:s7], $0x6FFFF;
	_ =	strace $0x90000046  }
0xb3: {  	s29 =	simm.s32 $0x9;
	_ =	strace $0x80000048  }
0xb4: {  	_ =	swait.ge [sflag:s29], $0x1  }
0xb5: {  	[sflag:s29] =	ssyncadd.s32 $0xFFFFFFFF  }
0xb6: {  	_ =	strace $0x90000048  }
0xb7: {  	_ =	sfence  }
0xb8: {  	s30 =	sld [smem:$0x0];
	_ =	sdelay $0x2  }
0xb9: {  	s31 =	sshll.u32 s1, $0xD;
	s1 =	sshrl.u32 s1, $0x2  }
0xba: {  	s3 =	sand.u32 $0x4000, s31;
	s1 =	sadd.s32 s1, s30  }
0xbb: {  	s0 =	sor.u32 s3, s0;
	s1 =	sshll.u32 s1, $0x11  }
0xbc: {  	s0 =	sor.u32 s1, s0  }
0xbd: {  	s0 =	sadd.s32 $0x8F2B, s0  }
0xbe: {  	[sflag:s0] =	ssyncadd.remote.s32 $0x1  }
0xbf: {  	_ =	sfence.sel $0xFFFF  }
0xc0: {  	[dreg:$0x0] =	wrdreg $0xFFFFFFFF;
	(pc) =	sbr.abs _section_cstart, $3  }
0xc1: {  	[dreg:$0x1] =	wrdreg $0xFFFFFFFF  }
0xc2: {  	_ =	task.clear_ibuf [dreg:s7], $0x2FFFF;
	_ =	strace $0x9FFFFFFF  }
0xc3: {  	(tm) =	ssettm $0x7FFFFFFF  }
tec
execute0_lowered:
.L_overlay_start_1:
0x0: {  	(tag) =	ssettag $0x1  }
0x1: {  	s8 =	rddreg [dreg:$0x0]  }
0x2: {  	s2 =	rddreg [dreg:$0x1];
	s0 =	srdreg.scid  }
0x3: {  	s3 =	rddreg [dreg:$0x2];
	s1 =	stileid.u32  }
0x4: {  	s4 =	simm.s32 $0x0;
	s16 =	simm.s32 $0x8100;
	s17 =	simm.s32 $0x3  }
0x5: {  	s18 =	simm.s32 $0x80;
	s19 =	simm.s32 $0x4100;
	s20 =	simm.s32 $0x2  }
0x6: {  	s21 =	simm.s32 $0x100;
	s22 =	simm.s32 $0x1;
	s23 =	simm.s32 $0x0  }
0x7: {  	s9 =	sand.u32 $0x1, s0;
	s0 =	rddreg [dreg:$0x3];
	s7 =	smul.u32 $0x13C00, s1  }
0x8: {  	[smem:$0x7FF] =	sst s4;
	s5 =	sadd.s32 $0x32400, s8;
	s11 =	smul.u32 $0x4F000, s1  }
0x9: {  	s6 =	smul.u32 $0x13C000, s9;
	_ =	strace $0x80000047;
	s29 =	ssub.s32 $0x2, s9  }
0xa: {  	s9 =	sshll.u32 s9, $0x4;
	s30 =	sshrl.u32 s29, $0x1;
	s11 =	sshrl.u32 s11, $0x2  }
0xb: {  	s31 =	sor.u32 s1, s9;
	s7 =	sadd.s32 s7, s6;
	s6 =	sadd.s32 $0x59600, s8  }
0xc: {  	s13 =	ssub.s32 s29, s30;
	s10 =	sshrl.u32 s7, $0x3;
	s7 =	sadd.s32 $0x28600, s8  }
0xd: {  	s12 =	sadd.s32 s10, s8;
	s8 =	sadd.s32 s11, s3;
	s10 =	smul.u32 $0x2780, s31  }
0xe: {  	s9 =	sadd.s32 $0x10000, s8;
	s11 =	sadd.s32 $0x549600, s12;
	s12 =	smax.u32 s13, $0x1  }
0xf: {  	v0 =	vimm.f32 $0.0e+00;
	s13 =	sadd.s32 $0x4000, s8;
	s14 =	sadd.s32 $0x8000, s8;
	s15 =	sadd.s32 $0xC000, s8  }
.LBB2_1:
0x10: {  	s24 =	sand.u32 $0xFE00, s4  }
0x11: {  	s25 =	sand.u32 $0x70, s4;
	s26 =	sshrl.u32 s24, $0x2  }
0x12: {  	s24 =	simm.s32 $0x40;
	s26 =	sor.u32 s25, s26;
	s25 =	simm.s32 $0x0  }
.LBB2_2:
0x13: {  	p0 =	sne.s32 s24, $0xFFC0  }
0x14: {  	[tilespmem:s26+$0x8100] =	vst v0;
	s25 =	sadd.s32 $0x10, s25;
	s26 =	smov.u32 s24;
	s24 =	sadd.s32 $0x40, s24  }
.Ltmp0:
0x15: {  	(pc) =	sbr.rel @p0 .LBB2_2-.Ltmp0, $4  }
0x16: {  	_ = 	snop  }
0x17: {  	s26 =	sand.u32 $0xFE00, s26  }
0x18: {  	s28 =	sand.u32 $0x70, s25;
	s26 =	sshrl.u32 s26, $0x2  }
0x19: {  	s26 =	sor.u32 s28, s26  }
0x1a: {  	[tilespmem:s26+$0x8100] =	vst v0  }
0x1b: {  	[spmem:s8] =	stream.linear.scatter [tilespmem:s16], [sflag:$0x3], $0x4000, $0x38;
	[tilespmem:$0x1FD00] =	vst v63  }
0x1c: {  	_ =	swait.ge [sflag:s17], $0x4000  }
0x1d: {  	[sflag:s17] =	ssyncset.done $0x0  }
0x1e: {  	[sflag:s17] =	ssyncadd.s32 $0xFFFFC000  }
0x1f: {  	[spmem:s13] =	stream.linear.scatter [tilespmem:s16], [sflag:$0x3], $0x4000, $0x38;
	[tilespmem:$0x1FD00] =	vst v63  }
0x20: {  	_ =	swait.ge [sflag:s17], $0x4000  }
0x21: {  	[sflag:s17] =	ssyncset.done $0x0  }
0x22: {  	[sflag:s17] =	ssyncadd.s32 $0xFFFFC000  }
0x23: {  	[spmem:s14] =	stream.linear.scatter [tilespmem:s16], [sflag:$0x3], $0x4000, $0x38;
	[tilespmem:$0x1FD00] =	vst v63  }
0x24: {  	_ =	swait.ge [sflag:s17], $0x4000  }
0x25: {  	[sflag:s17] =	ssyncset.done $0x0  }
0x26: {  	[sflag:s17] =	ssyncadd.s32 $0xFFFFC000  }
0x27: {  	[spmem:s15] =	stream.linear.scatter [tilespmem:s16], [sflag:$0x3], $0x4000, $0x38;
	[tilespmem:$0x1FD00] =	vst v63  }
0x28: {  	_ =	swait.ge [sflag:s17], $0x4000  }
0x29: {  	[sflag:s17] =	ssyncset.done $0x0  }
0x2a: {  	[sflag:s17] =	ssyncadd.s32 $0xFFFFC000  }
0x2b: {  	[spmem:s9] =	stream.linear.scatter [tilespmem:s16], [sflag:$0x3], $0x3C00, $0x38;
	[tilespmem:$0x1FD00] =	vst v63  }
0x2c: {  	_ =	swait.ge [sflag:s17], $0x3C00  }
0x2d: {  	[sflag:s17] =	ssyncset.done $0x0  }
0x2e: {  	[sflag:s17] =	ssyncadd.s32 $0xFFFFC400  }
0x2f: {  	s24 =	simm.s32 $0x0;
	s25 =	simm.s32 $0x0;
	[bflag:$0x0] =	sbarrier.arrive $0xFFFF  }
.LBB2_4:
0x30: {  	s26 =	sshll.u32 s25, $0x7  }
0x31: {  	s26 =	sadd.s32 s10, s26  }
0x32: {  	s28 =	sshrl.u32 s26, $0x3  }
0x33: {  	s29 =	sadd.s32 s7, s28  }
0x34: {  	[tilespmem:s24], [sflag:$0x2] =	stream.linear.gather [hbm4b:s29+s24], $0x80, $0x38;
	[tilespmem:$0x1FD00] =	vst v63  }
0x35: {  	s26 =	sshll.u32 s26, $0x4;
	s28 =	sadd.s32 s2, s28  }
0x36: {  	[tilespmem:s18], [sflag:$0x2] =	stream.linear.gather [hbm4b:s28+s24], $0x80, $0x38;
	[tilespmem:$0x1FD00] =	vst v63  }
0x37: {  	s26 =	sadd.s32 s6, s26  }
0x38: {  	[tilespmem:s19], [sflag:$0x2] =	stream.linear.gather [hbm4b:s26+s24], $0x4000, $0x38;
	[tilespmem:$0x1FD00] =	vst v63  }
0x39: {  	_ =	swait.ge [sflag:s20], $0x80  }
0x3a: {  	[sflag:s20] =	ssyncset.done $0x0  }
0x3b: {  	[sflag:s20] =	ssyncadd.s32 $0xFFFFFF80  }
0x3c: {  	[tilespmem:s21], [sflag:$0x1] =	stream.indirect.gather [hbm4b:s5+s18], $0x80, s24, s18, $0xb8;
	[tilespmem:$0x1FD00] =	vst v63  }
0x3d: {  	_ =	swait.ge [sflag:s20], $0x80  }
0x3e: {  	[sflag:s20] =	ssyncset.done $0x0  }
0x3f: {  	[sflag:s20] =	ssyncadd.s32 $0xFFFFFF80  }
0x40: {  	_ =	swait.ge [sflag:s20], $0x4000  }
0x41: {  	[sflag:s20] =	ssyncset.done $0x0  }
0x42: {  	[sflag:s20] =	ssyncadd.s32 $0xFFFFC000  }
0x43: {  	_ =	swait.ge [sflag:s22], $0x4000  }
0x44: {  	[sflag:s22] =	ssyncset.done $0x0  }
0x45: {  	s28 =	simm.s32 $0x0;
	[sflag:s22] =	ssyncadd.s32 $0xFFFFC000  }
0x46: {  	v2 =	vld [tilespmem:s28+$0x110]  }
0x47: {  	v1 =	vld [tilespmem:s28+$0x4130]  }
0x48: {  	v3 =	vld [tilespmem:s28+$0x4138]  }
0x49: {  	v6 =	vld [tilespmem:s28+$0x100]  }
0x4a: {  	v4 =	vld [tilespmem:s28+$0x4120];
	_ =	sdelay $0x1  }
0x4b: {  	v7 =	vld [tilespmem:s28+$0x4100]  }
0x4c: {  	s26 =	simm.s32 $0x80;
	v8 =	vld [tilespmem:s28+$0x4110];
	v9 =	vmul.f32 v1, v2;
	v10 =	vbroadcast v3, $0xA  }
0x4d: {  	v11 =	vld [tilespmem:s26+$0x4130];
	v12 =	vbroadcast v3, $0x8  }
0x4e: {  	v14 =	vld [tilespmem:s26+$0x4138];
	v15 =	vmul.f32 v4, v6;
	v13 =	vmul.f32 v10, v9  }
0x4f: {  	v1 =	vld [tilespmem:s26+$0x110];
	v3 =	vbroadcast v3, $0x9;
	v4 =	vmul.f32 v12, v9  }
0x50: {  	v5 =	vld [tilespmem:s26+$0x100];
	v12 =	vmul.f32 v12, v15;
	[tilespmem:s28+$0x8170] =	vst v13  }
0x51: {  	v9 =	vmul.f32 v3, v9;
	v13 =	vld [tilespmem:s26+$0x4120];
	[tilespmem:s28+$0x8130] =	vst v4  }
0x52: {  	v8 =	vmul.f32 v8, v2;
	v4 =	vld [tilespmem:s26+$0x4100];
	[tilespmem:s28+$0x8120] =	vst v12;
	v12 =	vmul.f32 v3, v15  }
0x53: {  	v10 =	vmul.f32 v10, v15;
	v15 =	vmul.f32 v7, v6;
	v3 =	vld [tilespmem:s26+$0x4110];
	[tilespmem:s28+$0x8150] =	vst v9  }
0x54: {  	s29 =	simm.s32 $0x100;
	v6 =	vbroadcast v14, $0xA;
	v9 =	vmul.f32 v11, v1;
	[tilespmem:s28+$0x8140] =	vst v12  }
0x55: {  	v12 =	vbroadcast v14, $0x8;
	v2 =	vld [tilespmem:s29+$0x110];
	[tilespmem:s28+$0x8160] =	vst v10;
	v10 =	vbroadcast v14, $0x9  }
0x56: {  	s30 =	simm.s32 $0x600;
	v7 =	vld [tilespmem:s29+$0x4130];
	v11 =	vmul.f32 v13, v5;
	v13 =	vmul.f32 v6, v9;
	[tilespmem:s28+$0x8100] =	vst v15  }
.LBB2_5:
0x57: {  	p0 =	sne.s32 s30, $0xFE00;
	v14 =	vld [tilespmem:s29+$0x4138];
	v15 =	vmul.f32 v12, v9;
	v16 =	vmul.f32 v10, v9;
	[tilespmem:s28+$0x8110] =	vst v8;
	s28 =	smov.u32 s26;
	s26 =	smov.u32 s29  }
0x58: {  	v17 =	vld [tilespmem:s26+$0x100];
	v9 =	vmul.f32 v12, v11;
	v10 =	vmul.f32 v10, v11;
	[tilespmem:s28+$0x8170] =	vst v13  }
0x59: {  	v18 =	vmul.f32 v4, v5;
	v5 =	vmul.f32 v6, v11;
	v13 =	vld [tilespmem:s26+$0x4120];
	[tilespmem:s28+$0x8130] =	vst v15  }
.Ltmp1:
0x5a: {  	v8 =	vmul.f32 v3, v1;
	v4 =	vld [tilespmem:s26+$0x4100];
	[tilespmem:s28+$0x8120] =	vst v9;
	v1 =	vmov v2;
	(pc) =	sbr.rel @p0 .LBB2_5-.Ltmp1, $4  }
0x5b: {  	v3 =	vld [tilespmem:s26+$0x4110];
	[tilespmem:s28+$0x8140] =	vst v10  }
0x5c: {  	s29 =	sshra.s32 s30, $0x2;
	v9 =	vmul.f32 v7, v1;
	v6 =	vbroadcast v14, $0xA;
	[tilespmem:s28+$0x8150] =	vst v16  }
0x5d: {  	v12 =	vbroadcast v14, $0x8;
	v10 =	vbroadcast v14, $0x9;
	v2 =	vld [tilespmem:s29+$0x110];
	[tilespmem:s28+$0x8160] =	vst v5;
	v5 =	vmov v17  }
0x5e: {  	s30 =	sadd.s32 $0x200, s30;
	v7 =	vld [tilespmem:s29+$0x4130];
	v11 =	vmul.f32 v13, v5;
	v13 =	vmul.f32 v6, v9;
	[tilespmem:s28+$0x8100] =	vst v18  }
0x5f: {  	v14 =	vld [tilespmem:s29+$0x4138];
	[tilespmem:s28+$0x8110] =	vst v8;
	v15 =	vmul.f32 v12, v9  }
0x60: {  	v8 =	vld [tilespmem:s29+$0x100];
	[tilespmem:s26+$0x8170] =	vst v13;
	v53 =	vmul.f32 v12, v11  }
0x61: {  	v54 =	vmul.f32 v10, v11;
	v13 =	vld [tilespmem:s29+$0x4120];
	[tilespmem:s26+$0x8130] =	vst v15  }
0x62: {  	v55 =	vmul.f32 v10, v9;
	v15 =	vld [tilespmem:s29+$0x4100];
	[tilespmem:s26+$0x8120] =	vst v53  }
0x63: {  	v4 =	vmul.f32 v4, v5;
	v57 =	vmul.f32 v6, v11;
	v56 =	vld [tilespmem:s29+$0x4110];
	[tilespmem:s26+$0x8140] =	vst v54  }
0x64: {  	v58 =	vmul.f32 v7, v2;
	[tilespmem:s26+$0x8150] =	vst v55;
	v59 =	vbroadcast v14, $0xA  }
0x65: {  	v1 =	vmul.f32 v3, v1;
	[tilespmem:s26+$0x8160] =	vst v57;
	v3 =	vbroadcast v14, $0x8  }
0x66: {  	[tilespmem:s26+$0x8100] =	vst v4;
	v62 =	vbroadcast v14, $0x9;
	v61 =	vmul.f32 v59, v58  }
0x67: {  	[tilespmem:s26+$0x8110] =	vst v1;
	v60 =	vmul.f32 v13, v8;
	v63 =	vmul.f32 v3, v58  }
0x68: {  	v4 =	vmul.f32 v62, v58;
	[tilespmem:s29+$0x8170] =	vst v61  }
0x69: {  	v1 =	vmul.f32 v3, v60;
	[tilespmem:s29+$0x8130] =	vst v63  }
0x6a: {  	v3 =	vmul.f32 v62, v60;
	[tilespmem:s29+$0x8150] =	vst v4  }
0x6b: {  	v2 =	vmul.f32 v56, v2;
	[tilespmem:s29+$0x8120] =	vst v1  }
0x6c: {  	v1 =	vmul.f32 v59, v60;
	[tilespmem:s29+$0x8140] =	vst v3  }
0x6d: {  	s25 =	sadd.s32 $0x1, s25;
	v3 =	vmul.f32 v15, v8;
	[tilespmem:s29+$0x8110] =	vst v2  }
0x6e: {  	p0 =	sne.s32 s25, $0x4F;
	[tilespmem:s29+$0x8160] =	vst v1  }
.Ltmp2:
0x6f: {  	[tilespmem:s29+$0x8100] =	vst v3;
	(pc) =	sbr.rel @p0 .LBB2_4-.Ltmp2, $4  }
0x70: {  	[spmem:s3] =	stream.indirect.scatter.add.f32 [tilespmem:s16], [sflag:$0x3], $0x80, s18, s18, $0xb8;
	[tilespmem:$0x1FD00] =	vst v63  }
0x71: {  	_ =	swait.ge [sflag:s17], $0x4000  }
0x72: {  	[sflag:s17] =	ssyncset.done $0x0  }
0x73: {  	[sflag:s17] =	ssyncadd.s32 $0xFFFFC000  }
0x74: {  	s23 =	sadd.s32 $0x1, s23  }
0x75: {  	s24 =	sshll.u32 s1, $0x6;
	[bflag:$0x0] =	sbarrier.arrive $0xFFFF;
	p0 =	sne.s32 s23, s12  }
.Ltmp3:
0x76: {  	s25 =	sshrl.u32 s8, $0x3;
	s24 =	sor.u32 $0x1C03, s24;
	(pc) =	sbr.rel @p0 .LBB2_1-.Ltmp3, $4  }
0x77: {  	[hbm:s11], [sflag:s24] =	dma.local [spmem:s25], $0x2780  }
0x78: {  	_ =	swait.ge [sflag:s17], $0x2780  }
0x79: {  	[sflag:s17] =	ssyncset.done $0x0  }
0x7a: {  	[sflag:s17] =	ssyncadd.s32 $0xFFFFD880  }
0x7b: {  	_ =	sfence.sel $0x180000  }
0x7c: {  	[bflag:$0x0] =	sbarrier.arrive $0xFFFF  }
0x7d: {  	p0 =	sne.s32 s1, $0x0;
	_ =	strace $0x90000047  }
0x7e: {  	s0 =	sadd.s32 @!p0 $0x100000, s0;
	[bflag:$0x2] =	sbarrier.arrive $0xFFFF  }
0x7f: {  	[sflag:s0] =	ssyncadd.tile.s32 @!p0 $0x1;
	_ =	shalt  }
.Lfunc_end2:
_tile_overlayer_lowered:
.L_overlay_start_2:
0x80: {  	(tag) =	ssettag $0x2  }
0x81: {  	s0 =	rddreg [dreg:$0x0];
	s2 =	stileid.u32  }
0x82: {  	s1 =	rddreg [dreg:$0x1];
	p0 =	sne.s32 s2, $0x0  }
0x83: {  	s3 =	rddreg [dreg:$0x2];
	[bflag:$0x3] =	sbarrier.arrive $0xFFFF;
	s2 =	simm.s32 @!p0 $0x1C03  }
0x84: {  	[timem:s3], [sflag:s2] =	dma.local @!p0 [hbm:s0], s1  }
0x85: {  	s0 =	simm.s32 @!p0 $0x3  }
0x86: {  	_ =	swait.ge @!p0 [sflag:s0], s1  }
0x87: {  	s1 =	ssub.s32 @!p0 $0x0, s1;
	[sflag:s0] =	ssyncset.done @!p0 $0x0  }
0x88: {  	[sflag:s0] =	ssyncadd.s32 @!p0 s1  }
0x89: {  	[bflag:$0x3] =	sbarrier.arrive $0xFFFF  }
0x8a: {  	_ =	shalt  }

</sc_bundles>
